<compile_context>
chip_gen: v7x
topology: tpu7x:2x2x1
jax: 0.10.2.dev20260603
libtpu: 0.0.44.dev20260713+nightly
codegen_flags: <defaults>
</compile_context>

<pallas_src>
import functools

import jax
import jax.numpy as jnp
from jax import lax
from jax.experimental import pallas as pl
from jax.experimental.pallas import tpu as pltpu
from jax.experimental.pallas import tpu_sc as plsc

N = 10000
E = 320000
D = 128
H = 128
O = 64
L = 40000
WP = H + O
WH = WP // 2

NC = 2
NS = 16

_sc_mesh = plsc.VectorSubcoreMesh(
    core_axis_name="c", subcore_axis_name="s", num_cores=NC, num_subcores=NS)

RB = 1000


def _dense1_body(xd_ref, xm_ref, wr1d_ref, b1d_ref, wrel1_ref, wrel2_ref,
                 wr1m_ref, hd_ref, pa_ref, pb_ref, r1m_ref):
    xd = xd_ref[...]
    hd = jnp.maximum(
        jnp.dot(xd, wr1d_ref[...], preferred_element_type=jnp.float32)
        + b1d_ref[...], 0.0)
    hd_ref[...] = hd
    p1 = jnp.dot(xd, wrel1_ref[...], preferred_element_type=jnp.float32)
    p2 = jnp.dot(hd, wrel2_ref[...], preferred_element_type=jnp.float32)
    pa_ref[...] = p1[:, :WH]
    pb_ref[...] = jnp.concatenate([p1[:, WH:], p2], axis=1)
    r1m_ref[...] = jnp.dot(xm_ref[...], wr1m_ref[...],
                           preferred_element_type=jnp.float32)


def _dense1(xd, xm, wr1d, b1d, wrel1, wrel2, wr1m):
    return pl.pallas_call(
        _dense1_body,
        grid=(N // RB,),
        in_specs=[
            pl.BlockSpec((RB, D), lambda i: (i, 0)),
            pl.BlockSpec((RB, D), lambda i: (i, 0)),
            pl.BlockSpec((D, H), lambda i: (0, 0)),
            pl.BlockSpec((1, H), lambda i: (0, 0)),
            pl.BlockSpec((D, H), lambda i: (0, 0)),
            pl.BlockSpec((H, O), lambda i: (0, 0)),
            pl.BlockSpec((D, H), lambda i: (0, 0)),
        ],
        out_specs=[
            pl.BlockSpec((RB, H), lambda i: (i, 0)),
            pl.BlockSpec((RB, WH), lambda i: (i, 0)),
            pl.BlockSpec((RB, WH), lambda i: (i, 0)),
            pl.BlockSpec((RB, H), lambda i: (i, 0)),
        ],
        out_shape=[
            jax.ShapeDtypeStruct((N, H), jnp.float32),
            jax.ShapeDtypeStruct((N, WH), jnp.float32),
            jax.ShapeDtypeStruct((N, WH), jnp.float32),
            jax.ShapeDtypeStruct((N, H), jnp.float32),
        ],
    )(xd, xm, wr1d, b1d, wrel1, wrel2, wr1m)


CH = 80
EPT = E // NS
NCH = EPT // CH
NVR = WH // 16

EB = 4000


def _wexp_body(w_ref, out_ref):
    out_ref[...] = jnp.broadcast_to(w_ref[...], (EB, 16))


def _wexp(w):
    return pl.pallas_call(
        _wexp_body,
        grid=(E // EB,),
        in_specs=[pl.BlockSpec((EB, 1), lambda i: (i, 0))],
        out_specs=pl.BlockSpec((EB, 16), lambda i: (i, 0)),
        out_shape=jax.ShapeDtypeStruct((E, 16), jnp.float32),
    )(w.reshape(E, 1))


@functools.partial(
    pl.kernel,
    out_type=(jax.ShapeDtypeStruct((N, WH), jnp.float32),
              jax.ShapeDtypeStruct((N, WH), jnp.float32)),
    mesh=_sc_mesh,
    scratch_types=[
        pltpu.VMEM((CH,), jnp.int32),
        pltpu.VMEM((CH,), jnp.int32),
        pltpu.VMEM((CH,), jnp.int32),
        pltpu.VMEM((CH,), jnp.int32),
        pltpu.VMEM((CH, 16), jnp.float32),
        pltpu.VMEM((CH, 16), jnp.float32),
        pltpu.VMEM((CH, WH), jnp.float32),
        pltpu.VMEM((CH, WH), jnp.float32),
        pltpu.VMEM_SHARED((N, WH), jnp.float32),
        pltpu.SemaphoreType.DMA,
        pltpu.SemaphoreType.DMA,
        pltpu.SemaphoreType.DMA,
        pltpu.SemaphoreType.DMA,
    ],
    compiler_params=pltpu.CompilerParams(use_tc_tiling_on_sc=False),
)
def _segsum(pa_hbm, pb_hbm, src_hbm, dst_hbm, wx_hbm, out0_hbm, out1_hbm,
            src0, src1, dst0, dst1, wx0, wx1, rows0, rows1, acc_sh,
            sem_i0, sem_i1, sem_g0, sem_g1):
    c = lax.axis_index("c")
    s = lax.axis_index("s")
    srcb = (src0, src1)
    dstb = (dst0, dst1)
    wxb = (wx0, wx1)
    rowsb = (rows0, rows1)
    semi = (sem_i0, sem_i1)
    semg = (sem_g0, sem_g1)

    zero = jnp.zeros((16,), jnp.float32)

    def _zrow(e, carry):
        for r in range(NVR):
            rows0[e, pl.ds(r * 16, 16)] = zero
        return carry

    lax.fori_loop(0, CH, _zrow, 0)

    def _zacc(i, carry):
        cid = s + i * NS

        @pl.when(cid < N // CH)
        def _():
            pltpu.sync_copy(rows0, acc_sh.at[pl.ds(cid * CH, CH)])

        return carry

    lax.fori_loop(0, (N // CH + NS - 1) // NS, _zacc, 0)
    plsc.subcore_barrier()

    ebase = s * EPT

    def _issue_idx(j, b):
        eb = ebase + j * CH
        pltpu.async_copy(src_hbm.at[pl.ds(eb, CH)], srcb[b], semi[b])
        pltpu.async_copy(dst_hbm.at[pl.ds(eb, CH)], dstb[b], semi[b])
        pltpu.async_copy(wx_hbm.at[pl.ds(eb, CH)], wxb[b], semi[b])

    def _wait_idx(b):
        pltpu.make_async_copy(src_hbm.at[pl.ds(0, CH)], srcb[b], semi[b]).wait()
        pltpu.make_async_copy(dst_hbm.at[pl.ds(0, CH)], dstb[b], semi[b]).wait()
        pltpu.make_async_copy(wx_hbm.at[pl.ds(0, CH)], wxb[b], semi[b]).wait()

    def _scale(b):
        rows = rowsb[b]
        wx = wxb[b]

        def _edge(e, carry):
            wv = wx[e, :]
            for r in range(NVR):
                rows[e, pl.ds(r * 16, 16)] = rows[e, pl.ds(r * 16, 16)] * wv
            return carry

        lax.fori_loop(0, CH, _edge, 0, unroll=2)

    def _make_pass(table_hbm):
        def _issue_gather(b):
            pltpu.async_copy(table_hbm.at[srcb[b]], rowsb[b], semg[b])

        def _wait_gather(b):
            pltpu.make_async_copy(table_hbm.at[srcb[b]], rowsb[b],
                                  semg[b]).wait()

        _issue_idx(0, 0)
        _issue_idx(1, 1)
        _wait_idx(0)
        _issue_gather(0)

        def _two(t, carry):
            for b in (0, 1):
                j = 2 * t + b

                @pl.when(j + 1 < NCH)
                def _():
                    _wait_idx(1 - b)
                    _issue_gather(1 - b)

                _wait_gather(b)

                @pl.when(j + 2 < NCH)
                def _():
                    _issue_idx(j + 2, b)

            return carry

        lax.fori_loop(0, NCH // 2, _two, 0)

    @pl.when(c == 0)
    def _():
        _make_pass(pa_hbm)

    @pl.when(c == 1)
    def _():
        _make_pass(pb_hbm)

    plsc.subcore_barrier()

    def _copyout(i, carry):
        cid = s + i * NS

        @pl.when(cid < N // CH)
        def _():
            r0 = cid * CH

            @pl.when(c == 0)
            def _():
                pltpu.sync_copy(acc_sh.at[pl.ds(r0, CH)],
                                out0_hbm.at[pl.ds(r0, CH)])

            @pl.when(c == 1)
            def _():
                pltpu.sync_copy(acc_sh.at[pl.ds(r0, CH)],
                                out1_hbm.at[pl.ds(r0, CH)])

        return carry

    lax.fori_loop(0, (N // CH + NS - 1) // NS, _copyout, 0)


def _dense2_body(a0_ref, a1_ref, r1m_ref, hd_ref, wr2m_ref, b2m_ref,
                 wr2d_ref, b2d_ref, wd1_ref, b1m_ref, ud_ref, um_ref):
    a = jnp.concatenate([a0_ref[...], a1_ref[...]], axis=1)
    h_m = jnp.maximum(a[:, :H] + r1m_ref[...] + b1m_ref[...], 0.0)
    z_m = (a[:, H:]
           + jnp.dot(h_m, wr2m_ref[...], preferred_element_type=jnp.float32)
           + b2m_ref[...])
    z_d = (jnp.dot(hd_ref[...], wr2d_ref[...],
                   preferred_element_type=jnp.float32) + b2d_ref[...])
    wd1 = wd1_ref[...]
    ud_ref[...] = jnp.dot(z_d, wd1[:O], preferred_element_type=jnp.float32)
    um_ref[...] = jnp.dot(z_m, wd1[O:], preferred_element_type=jnp.float32)


def _dense2(a0, a1, r1m, hd, wr2m, b2m, wr2d, b2d, wd1, b1m):
    return pl.pallas_call(
        _dense2_body,
        grid=(N // RB,),
        in_specs=[
            pl.BlockSpec((RB, WH), lambda i: (i, 0)),
            pl.BlockSpec((RB, WH), lambda i: (i, 0)),
            pl.BlockSpec((RB, H), lambda i: (i, 0)),
            pl.BlockSpec((RB, H), lambda i: (i, 0)),
            pl.BlockSpec((H, O), lambda i: (0, 0)),
            pl.BlockSpec((1, O), lambda i: (0, 0)),
            pl.BlockSpec((H, O), lambda i: (0, 0)),
            pl.BlockSpec((1, O), lambda i: (0, 0)),
            pl.BlockSpec((2 * O, O), lambda i: (0, 0)),
            pl.BlockSpec((1, H), lambda i: (0, 0)),
        ],
        out_specs=[
            pl.BlockSpec((RB, O), lambda i: (i, 0)),
            pl.BlockSpec((RB, O), lambda i: (i, 0)),
        ],
        out_shape=[
            jax.ShapeDtypeStruct((N, O), jnp.float32),
            jax.ShapeDtypeStruct((N, O), jnp.float32),
        ],
    )(a0, a1, r1m, hd, wr2m, b2m, wr2d, b2d, wd1, b1m)


GCH = 80
TPT = 1280
GNCH = TPT // GCH


@functools.partial(
    pl.kernel,
    out_type=(jax.ShapeDtypeStruct((L, O), jnp.float32),
              jax.ShapeDtypeStruct((L, O), jnp.float32)),
    mesh=_sc_mesh,
    scratch_types=[
        pltpu.VMEM((GCH,), jnp.int32),
        pltpu.VMEM((GCH, O), jnp.float32),
        pltpu.SemaphoreType.DMA,
    ],
    compiler_params=pltpu.CompilerParams(use_tc_tiling_on_sc=False),
)
def _gather2(ud_hbm, um_hbm, row_hbm, col_hbm, gd_hbm, gm_hbm,
             idx_v, rows_v, sem):
    c = lax.axis_index("c")
    s = lax.axis_index("s")
    t = s * NC + c

    def _chunk(j, carry):
        b = t * TPT + j * GCH

        @pl.when(b < L)
        def _():
            pltpu.sync_copy(row_hbm.at[pl.ds(b, GCH)], idx_v)
            pltpu.async_copy(ud_hbm.at[idx_v], rows_v, sem).wait()
            pltpu.sync_copy(rows_v, gd_hbm.at[pl.ds(b, GCH)])
            pltpu.sync_copy(col_hbm.at[pl.ds(b, GCH)], idx_v)
            pltpu.async_copy(um_hbm.at[idx_v], rows_v, sem).wait()
            pltpu.sync_copy(rows_v, gm_hbm.at[pl.ds(b, GCH)])

        return carry

    lax.fori_loop(0, GNCH, _chunk, 0)


LB = 2000


def _dec_body(gd_ref, gm_ref, bd1_ref, w2_ref, bd2_ref, out_ref):
    h = jnp.maximum(gd_ref[...] + gm_ref[...] + bd1_ref[...], 0.0)
    logit = jnp.sum(h * w2_ref[...], axis=1, keepdims=True) + bd2_ref[...]
    out_ref[...] = jax.nn.sigmoid(logit)


def _dec(gd, gm, bd1, w2, bd2):
    return pl.pallas_call(
        _dec_body,
        grid=(L // LB,),
        in_specs=[
            pl.BlockSpec((LB, O), lambda i: (i, 0)),
            pl.BlockSpec((LB, O), lambda i: (i, 0)),
            pl.BlockSpec((1, O), lambda i: (0, 0)),
            pl.BlockSpec((1, O), lambda i: (0, 0)),
            pl.BlockSpec((1, 1), lambda i: (0, 0)),
        ],
        out_specs=pl.BlockSpec((LB, 1), lambda i: (i, 0)),
        out_shape=jax.ShapeDtypeStruct((L, 1), jnp.float32),
    )(gd, gm, bd1, w2, bd2)


def kernel(x_demand, x_measurement, edge_index, edge_label_index, edge_weight,
           W_rel1, W_root1_m, b1_m, W_root1_d, b1_d,
           W_rel2, W_root2_m, b2_m, W_root2_d, b2_d,
           W_dec1, b_dec1, W_dec2, b_dec2):
    hd, pa, pb, r1m = _dense1(x_demand, x_measurement, W_root1_d,
                              b1_d.reshape(1, H), W_rel1, W_rel2, W_root1_m)
    a0, a1 = _segsum(pa, pb, edge_index[0], edge_index[1],
                     _wexp(edge_weight))
    ud, um = _dense2(a0, a1, r1m, hd, W_root2_m, b2_m.reshape(1, O),
                     W_root2_d, b2_d.reshape(1, O), W_dec1, b1_m.reshape(1, H))
    gd, gm = _gather2(ud, um, edge_label_index[0], edge_label_index[1])
    out = _dec(gd, gm, b_dec1.reshape(1, O), W_dec2.reshape(1, O),
               b_dec2.reshape(1, 1))
    return out.reshape(L)

# --- scband reference (transcript-rebuilt; emitter-appended) ---
"""Pipeline reference for scband-gae-hetero-link-pred-81071802679530 (READ-ONLY COPY).

The authoritative reference and input builder live on the scoring server;
editing this copy changes nothing except your own understanding.
"""

import jax, jax.numpy as jnp
import numpy as np

N = 10000      # nodes per type (demand, measurement)
E = 320000     # contributes_to edges
D = 128        # input feature dim
H = 128        # hidden_channels
O = 64         # out_channels
L = 40000      # edge_label_index supervision edges


def _glorot(key, shape):
    fan_in = shape[0]
    return jax.random.normal(key, shape, jnp.float32) * (1.0 / np.sqrt(fan_in))


def setup_inputs(seed: int = 0) -> dict:
    key = jax.random.key(seed)
    ks = jax.random.split(key, 24)
    inp = {}
    inp["x_demand"] = jax.random.normal(ks[0], (N, D), jnp.float32)
    inp["x_measurement"] = jax.random.normal(ks[1], (N, D), jnp.float32)
    inp["edge_index"] = jax.random.randint(ks[2], (2, E), 0, N, dtype=jnp.int32)
    inp["edge_label_index"] = jax.random.randint(ks[3], (2, L), 0, N, dtype=jnp.int32)
    inp["edge_weight"] = jax.random.uniform(ks[4], (E,), jnp.float32)
    # Encoder layer 1 (hetero GraphConv, edge type demand->measurement)
    inp["W_rel1"] = _glorot(ks[5], (D, H))
    inp["W_root1_m"] = _glorot(ks[6], (D, H))
    inp["b1_m"] = jnp.zeros((H,), jnp.float32)
    inp["W_root1_d"] = _glorot(ks[7], (D, H))   # demand has no in-edges: root transform only
    inp["b1_d"] = jnp.zeros((H,), jnp.float32)
    # Encoder layer 2
    inp["W_rel2"] = _glorot(ks[8], (H, O))
    inp["W_root2_m"] = _glorot(ks[9], (H, O))
    inp["b2_m"] = jnp.zeros((O,), jnp.float32)
    inp["W_root2_d"] = _glorot(ks[10], (H, O))
    inp["b2_d"] = jnp.zeros((O,), jnp.float32)
    # EdgeDecoder: Linear(2*O -> O) -> relu -> Linear(O -> 1) -> sigmoid
    inp["W_dec1"] = _glorot(ks[11], (2 * O, O))
    inp["b_dec1"] = jnp.zeros((O,), jnp.float32)
    inp["W_dec2"] = _glorot(ks[12], (O, 1))
    inp["b_dec2"] = jnp.zeros((1,), jnp.float32)
    return inp


def reference(x_demand, x_measurement, edge_index, edge_label_index, edge_weight,
              W_rel1, W_root1_m, b1_m, W_root1_d, b1_d,
              W_rel2, W_root2_m, b2_m, W_root2_d, b2_d,
              W_dec1, b_dec1, W_dec2, b_dec2):
    src = edge_index[0]
    dst = edge_index[1]
    # --- Encoder layer 1 (GraphConv with edge_weight, aggr='sum') ---
    msg1 = x_demand[src] * edge_weight[:, None]                    # gather + scale
    agg1 = jax.ops.segment_sum(msg1, dst, num_segments=N)          # scatter-add
    h_m = jax.nn.relu(agg1 @ W_rel1 + x_measurement @ W_root1_m + b1_m)
    h_d = jax.nn.relu(x_demand @ W_root1_d + b1_d)
    # --- Encoder layer 2 ---
    msg2 = h_d[src] * edge_weight[:, None]
    agg2 = jax.ops.segment_sum(msg2, dst, num_segments=N)
    z_m = agg2 @ W_rel2 + h_m @ W_root2_m + b2_m
    z_d = h_d @ W_root2_d + b2_d
    # --- EdgeDecoder on edge_label_index (demand -> measurement) ---
    row = edge_label_index[0]
    col = edge_label_index[1]
    feat = jnp.concatenate([z_d[row], z_m[col]], axis=-1)
    h = jax.nn.relu(feat @ W_dec1 + b_dec1)
    out = jax.nn.sigmoid(h @ W_dec2 + b_dec2)
    return out.squeeze(-1)

if __name__ == "__main__":
    import jax
    _d = setup_inputs()
    print(jax.jit(kernel)(*tuple(_d.values())))

</pallas_src>

<mosaic_0001>
#map = affine_map<(d0, d1) -> (0, 0)>
#map1 = affine_map<(d0, d1) -> (0)>
module attributes {stable_mosaic.version = 14 : i64} {
  func.func @_segsum(%arg0: i32, %arg1: i32, %arg2: memref<10000x96xf32, #tpu.memory_space<hbm>>, %arg3: memref<10000x96xf32, #tpu.memory_space<hbm>>, %arg4: memref<320000xi32, #tpu.memory_space<hbm>>, %arg5: memref<320000xi32, #tpu.memory_space<hbm>>, %arg6: memref<320000x16xf32, #tpu.memory_space<hbm>>, %arg7: memref<10000x96xf32, #tpu.memory_space<hbm>>, %arg8: memref<10000x96xf32, #tpu.memory_space<hbm>>, %arg9: memref<80xi32, #tpu.memory_space<vmem>>, %arg10: memref<80xi32, #tpu.memory_space<vmem>>, %arg11: memref<80xi32, #tpu.memory_space<vmem>>, %arg12: memref<80xi32, #tpu.memory_space<vmem>>, %arg13: memref<80x16xf32, #tpu.memory_space<vmem>>, %arg14: memref<80x16xf32, #tpu.memory_space<vmem>>, %arg15: memref<80x96xf32, #tpu.memory_space<vmem>>, %arg16: memref<80x96xf32, #tpu.memory_space<vmem>>, %arg17: memref<10000x96xf32, #tpu.memory_space<vmem_shared>>, %arg18: memref<!tpu.dma_semaphore, #tpu.memory_space<semaphore_mem>>, %arg19: memref<!tpu.dma_semaphore, #tpu.memory_space<semaphore_mem>>, %arg20: memref<!tpu.dma_semaphore, #tpu.memory_space<semaphore_mem>>, %arg21: memref<!tpu.dma_semaphore, #tpu.memory_space<semaphore_mem>>) attributes {dimension_semantics = [#tpu.dimension_semantics<core_parallel>, #tpu.dimension_semantics<subcore_parallel>], iteration_bounds = array<i64: 2, 16>, scalar_prefetch = 0 : i64, scratch_operands = 13 : i64, tpu.core_type = #tpu.core_type<sc_vector_subcore>, window_params = [{transform_indices = #map}, {transform_indices = #map}, {transform_indices = #map1}, {transform_indices = #map1}, {transform_indices = #map}, {transform_indices = #map}, {transform_indices = #map}]} {
    %broadcast_in_dim3A = arith.constant 0.000000e+00 : f32
    %broadcast_in_dim3A_0 = vector.broadcast %broadcast_in_dim3A : f32 to vector<16xf32>
    %scan3A = arith.constant 0 : i32
    %scan3A_1 = arith.constant 0 : i32
    %scan3A_2 = arith.constant 80 : i32
    %scan3A_3 = arith.addi %scan3A_1, %scan3A_2 : i32
    %scan3A_4 = arith.constant 1 : i32
    scf.for %scan3A_27 = %scan3A_1 to %scan3A_3 step %scan3A_4  : i32 {
      %swap3A = arith.index_cast %scan3A_27 : i32 to index
      %swap3A_28 = arith.constant 0 : index
      %swap3A_29 = tpu.vector_load %arg15[%swap3A, %swap3A_28] {strides = array<i32>} : memref<80x96xf32, #tpu.memory_space<vmem>>, vector<1x16xf32>,
      %swap3A_30 = vector.shape_cast %swap3A_29 : vector<1x16xf32> to vector<16xf32>
      %swap3A_31 = vector.shape_cast %broadcast_in_dim3A_0 : vector<16xf32> to vector<1x16xf32>
      tpu.vector_store %arg15[%swap3A, %swap3A_28], %swap3A_31 {strides = array<i32>} : memref<80x96xf32, #tpu.memory_space<vmem>>, vector<1x16xf32>,
      %swap3A_32 = arith.index_cast %scan3A_27 : i32 to index
      %swap3A_33 = arith.constant 16 : index
      %swap3A_34 = tpu.vector_load %arg15[%swap3A_32, %swap3A_33] {strides = array<i32>} : memref<80x96xf32, #tpu.memory_space<vmem>>, vector<1x16xf32>,
      %swap3A_35 = vector.shape_cast %swap3A_34 : vector<1x16xf32> to vector<16xf32>
      %swap3A_36 = vector.shape_cast %broadcast_in_dim3A_0 : vector<16xf32> to vector<1x16xf32>
      tpu.vector_store %arg15[%swap3A_32, %swap3A_33], %swap3A_36 {strides = array<i32>} : memref<80x96xf32, #tpu.memory_space<vmem>>, vector<1x16xf32>,
      %swap3A_37 = arith.index_cast %scan3A_27 : i32 to index
      %swap3A_38 = arith.constant 32 : index
      %swap3A_39 = tpu.vector_load %arg15[%swap3A_37, %swap3A_38] {strides = array<i32>} : memref<80x96xf32, #tpu.memory_space<vmem>>, vector<1x16xf32>,
      %swap3A_40 = vector.shape_cast %swap3A_39 : vector<1x16xf32> to vector<16xf32>
      %swap3A_41 = vector.shape_cast %broadcast_in_dim3A_0 : vector<16xf32> to vector<1x16xf32>
      tpu.vector_store %arg15[%swap3A_37, %swap3A_38], %swap3A_41 {strides = array<i32>} : memref<80x96xf32, #tpu.memory_space<vmem>>, vector<1x16xf32>,
      %swap3A_42 = arith.index_cast %scan3A_27 : i32 to index
      %swap3A_43 = arith.constant 48 : index
      %swap3A_44 = tpu.vector_load %arg15[%swap3A_42, %swap3A_43] {strides = array<i32>} : memref<80x96xf32, #tpu.memory_space<vmem>>, vector<1x16xf32>,
      %swap3A_45 = vector.shape_cast %swap3A_44 : vector<1x16xf32> to vector<16xf32>
      %swap3A_46 = vector.shape_cast %broadcast_in_dim3A_0 : vector<16xf32> to vector<1x16xf32>
      tpu.vector_store %arg15[%swap3A_42, %swap3A_43], %swap3A_46 {strides = array<i32>} : memref<80x96xf32, #tpu.memory_space<vmem>>, vector<1x16xf32>,
      %swap3A_47 = arith.index_cast %scan3A_27 : i32 to index
      %swap3A_48 = arith.constant 64 : index
      %swap3A_49 = tpu.vector_load %arg15[%swap3A_47, %swap3A_48] {strides = array<i32>} : memref<80x96xf32, #tpu.memory_space<vmem>>, vector<1x16xf32>,
      %swap3A_50 = vector.shape_cast %swap3A_49 : vector<1x16xf32> to vector<16xf32>
      %swap3A_51 = vector.shape_cast %broadcast_in_dim3A_0 : vector<16xf32> to vector<1x16xf32>
      tpu.vector_store %arg15[%swap3A_47, %swap3A_48], %swap3A_51 {strides = array<i32>} : memref<80x96xf32, #tpu.memory_space<vmem>>, vector<1x16xf32>,
      %swap3A_52 = arith.index_cast %scan3A_27 : i32 to index
      %swap3A_53 = arith.constant 80 : index
      %swap3A_54 = tpu.vector_load %arg15[%swap3A_52, %swap3A_53] {strides = array<i32>} : memref<80x96xf32, #tpu.memory_space<vmem>>, vector<1x16xf32>,
      %swap3A_55 = vector.shape_cast %swap3A_54 : vector<1x16xf32> to vector<16xf32>
      %swap3A_56 = vector.shape_cast %broadcast_in_dim3A_0 : vector<16xf32> to vector<1x16xf32>
      tpu.vector_store %arg15[%swap3A_52, %swap3A_53], %swap3A_56 {strides = array<i32>} : memref<80x96xf32, #tpu.memory_space<vmem>>, vector<1x16xf32>,
    }
    %scan3A_5 = arith.constant 80 : i32
    %scan3A_6 = arith.constant 0 : i32
    %scan3A_7 = arith.constant 0 : i32
    %scan3A_8 = arith.constant 8 : i32
    %scan3A_9 = arith.addi %scan3A_7, %scan3A_8 : i32
    %scan3A_10 = arith.constant 1 : i32
    scf.for %scan3A_27 = %scan3A_7 to %scan3A_9 step %scan3A_10  : i32 {
      %mul3A_28 = arith.constant 16 : i32
      %mul3A_29 = arith.muli %scan3A_27, %mul3A_28 : i32
      %add3A = arith.addi %arg1, %mul3A_29 : i32
      %lt3A = arith.constant 125 : i32
      %lt3A_30 = arith.cmpi slt, %add3A, %lt3A : i32
      %convert_element_type3A_31 = arith.extui %lt3A_30 : i1 to i32
      %cond3A_32 = arith.constant 0 : i32
      %cond3A_33 = arith.cmpi ne, %convert_element_type3A_31, %cond3A_32 : i32
      scf.if %cond3A_33 {
        %mul3A_34 = arith.constant 80 : i32
        %mul3A_35 = arith.muli %add3A, %mul3A_34 : i32
        "tpu.region"() ({
          %run_scoped3A = tpu.sem_alloc : memref<!tpu.dma_semaphore, #tpu.memory_space<semaphore_mem>>
          %dma_start3A = arith.constant 0 : i32
          %dma_start3A_36 = tpu.memref_slice %arg17[%mul3A_35, %dma_start3A] : memref<10000x96xf32, #tpu.memory_space<vmem_shared>> -> memref<80x96xf32, #tpu.memory_space<vmem_shared>>
          %dma_start3A_37 = arith.constant 0 : i32
          %dma_start3A_38 = tpu.memref_slice %arg17[%mul3A_35, %dma_start3A_37] : memref<10000x96xf32, #tpu.memory_space<vmem_shared>> -> memref<80x96xf32, #tpu.memory_space<vmem_shared>>
          tpu.enqueue_dma source(%arg15 : memref<80x96xf32, #tpu.memory_space<vmem>>) target(%dma_start3A_38 : memref<80x96xf32, #tpu.memory_space<vmem_shared>>) target_semaphore(%run_scoped3A : memref<!tpu.dma_semaphore, #tpu.memory_space<semaphore_mem>>)
          %dma_wait3A = arith.constant 0 : i32
          %dma_wait3A_39 = tpu.memref_slice %arg17[%mul3A_35, %dma_wait3A] : memref<10000x96xf32, #tpu.memory_space<vmem_shared>> -> memref<80x96xf32, #tpu.memory_space<vmem_shared>>
          %dma_wait3A_40 = arith.constant 0 : i32
          %dma_wait3A_41 = tpu.memref_slice %arg17[%mul3A_35, %dma_wait3A_40] : memref<10000x96xf32, #tpu.memory_space<vmem_shared>> -> memref<80x96xf32, #tpu.memory_space<vmem_shared>>
          tpu.wait_dma2 semaphore(%run_scoped3A : memref<!tpu.dma_semaphore, #tpu.memory_space<semaphore_mem>>) src(%arg15 : memref<80x96xf32, #tpu.memory_space<vmem>>) dst(%dma_wait3A_41 : memref<80x96xf32, #tpu.memory_space<vmem_shared>>)
          tpu.yield
        }) : () -> ()
      } else {
      }
    }
    %scan3A_11 = arith.constant 8 : i32
    %barrier3A = arith.constant 0 : index
    tpu.barrier barrier_id(%barrier3A)
    %mul3A = arith.constant 20000 : i32
    %mul3A_12 = arith.muli %arg1, %mul3A : i32
    %eq3A = arith.constant 0 : i32
    %eq3A_13 = arith.cmpi eq, %arg0, %eq3A : i32
    %convert_element_type3A = arith.extui %eq3A_13 : i1 to i32
    %cond3A = arith.constant 0 : i32
    %cond3A_14 = arith.cmpi ne, %convert_element_type3A, %cond3A : i32
    scf.if %cond3A_14 {
      %add3A = arith.constant 0 : i32
      %add3A_27 = arith.addi %mul3A_12, %add3A : i32
      %dma_start3A = tpu.memref_slice %arg4[%add3A_27] : memref<320000xi32, #tpu.memory_space<hbm>> -> memref<80xi32, #tpu.memory_space<hbm>>
      %dma_start3A_28 = tpu.memref_slice %arg4[%add3A_27] : memref<320000xi32, #tpu.memory_space<hbm>> -> memref<80xi32, #tpu.memory_space<hbm>>
      tpu.enqueue_dma source(%dma_start3A_28 : memref<80xi32, #tpu.memory_space<hbm>>) target(%arg9 : memref<80xi32, #tpu.memory_space<vmem>>) target_semaphore(%arg18 : memref<!tpu.dma_semaphore, #tpu.memory_space<semaphore_mem>>)
      %dma_start3A_29 = tpu.memref_slice %arg5[%add3A_27] : memref<320000xi32, #tpu.memory_space<hbm>> -> memref<80xi32, #tpu.memory_space<hbm>>
      %dma_start3A_30 = tpu.memref_slice %arg5[%add3A_27] : memref<320000xi32, #tpu.memory_space<hbm>> -> memref<80xi32, #tpu.memory_space<hbm>>
      tpu.enqueue_dma source(%dma_start3A_30 : memref<80xi32, #tpu.memory_space<hbm>>) target(%arg11 : memref<80xi32, #tpu.memory_space<vmem>>) target_semaphore(%arg18 : memref<!tpu.dma_semaphore, #tpu.memory_space<semaphore_mem>>)
      %dma_start3A_31 = arith.constant 0 : i32
      %dma_start3A_32 = tpu.memref_slice %arg6[%add3A_27, %dma_start3A_31] : memref<320000x16xf32, #tpu.memory_space<hbm>> -> memref<80x16xf32, #tpu.memory_space<hbm>>
      %dma_start3A_33 = arith.constant 0 : i32
      %dma_start3A_34 = tpu.memref_slice %arg6[%add3A_27, %dma_start3A_33] : memref<320000x16xf32, #tpu.memory_space<hbm>> -> memref<80x16xf32, #tpu.memory_space<hbm>>
      tpu.enqueue_dma source(%dma_start3A_34 : memref<80x16xf32, #tpu.memory_space<hbm>>) target(%arg13 : memref<80x16xf32, #tpu.memory_space<vmem>>) target_semaphore(%arg18 : memref<!tpu.dma_semaphore, #tpu.memory_space<semaphore_mem>>)
      %add3A_35 = arith.constant 80 : i32
      %add3A_36 = arith.addi %mul3A_12, %add3A_35 : i32
      %dma_start3A_37 = tpu.memref_slice %arg4[%add3A_36] : memref<320000xi32, #tpu.memory_space<hbm>> -> memref<80xi32, #tpu.memory_space<hbm>>
      %dma_start3A_38 = tpu.memref_slice %arg4[%add3A_36] : memref<320000xi32, #tpu.memory_space<hbm>> -> memref<80xi32, #tpu.memory_space<hbm>>
      tpu.enqueue_dma source(%dma_start3A_38 : memref<80xi32, #tpu.memory_space<hbm>>) target(%arg10 : memref<80xi32, #tpu.memory_space<vmem>>) target_semaphore(%arg19 : memref<!tpu.dma_semaphore, #tpu.memory_space<semaphore_mem>>)
      %dma_start3A_39 = tpu.memref_slice %arg5[%add3A_36] : memref<320000xi32, #tpu.memory_space<hbm>> -> memref<80xi32, #tpu.memory_space<hbm>>
      %dma_start3A_40 = tpu.memref_slice %arg5[%add3A_36] : memref<320000xi32, #tpu.memory_space<hbm>> -> memref<80xi32, #tpu.memory_space<hbm>>
      tpu.enqueue_dma source(%dma_start3A_40 : memref<80xi32, #tpu.memory_space<hbm>>) target(%arg12 : memref<80xi32, #tpu.memory_space<vmem>>) target_semaphore(%arg19 : memref<!tpu.dma_semaphore, #tpu.memory_space<semaphore_mem>>)
      %dma_start3A_41 = arith.constant 0 : i32
      %dma_start3A_42 = tpu.memref_slice %arg6[%add3A_36, %dma_start3A_41] : memref<320000x16xf32, #tpu.memory_space<hbm>> -> memref<80x16xf32, #tpu.memory_space<hbm>>
      %dma_start3A_43 = arith.constant 0 : i32
      %dma_start3A_44 = tpu.memref_slice %arg6[%add3A_36, %dma_start3A_43] : memref<320000x16xf32, #tpu.memory_space<hbm>> -> memref<80x16xf32, #tpu.memory_space<hbm>>
      tpu.enqueue_dma source(%dma_start3A_44 : memref<80x16xf32, #tpu.memory_space<hbm>>) target(%arg14 : memref<80x16xf32, #tpu.memory_space<vmem>>) target_semaphore(%arg19 : memref<!tpu.dma_semaphore, #tpu.memory_space<semaphore_mem>>)
      %dma_wait3A = arith.constant 0 : i32
      %dma_wait3A_45 = tpu.memref_slice %arg4[%dma_wait3A] : memref<320000xi32, #tpu.memory_space<hbm>> -> memref<80xi32, #tpu.memory_space<hbm>>
      %dma_wait3A_46 = arith.constant 0 : i32
      %dma_wait3A_47 = tpu.memref_slice %arg4[%dma_wait3A_46] : memref<320000xi32, #tpu.memory_space<hbm>> -> memref<80xi32, #tpu.memory_space<hbm>>
      tpu.wait_dma2 semaphore(%arg18 : memref<!tpu.dma_semaphore, #tpu.memory_space<semaphore_mem>>) src(%dma_wait3A_47 : memref<80xi32, #tpu.memory_space<hbm>>) dst(%arg9 : memref<80xi32, #tpu.memory_space<vmem>>)
      %dma_wait3A_48 = arith.constant 0 : i32
      %dma_wait3A_49 = tpu.memref_slice %arg5[%dma_wait3A_48] : memref<320000xi32, #tpu.memory_space<hbm>> -> memref<80xi32, #tpu.memory_space<hbm>>
      %dma_wait3A_50 = arith.constant 0 : i32
      %dma_wait3A_51 = tpu.memref_slice %arg5[%dma_wait3A_50] : memref<320000xi32, #tpu.memory_space<hbm>> -> memref<80xi32, #tpu.memory_space<hbm>>
      tpu.wait_dma2 semaphore(%arg18 : memref<!tpu.dma_semaphore, #tpu.memory_space<semaphore_mem>>) src(%dma_wait3A_51 : memref<80xi32, #tpu.memory_space<hbm>>) dst(%arg11 : memref<80xi32, #tpu.memory_space<vmem>>)
      %dma_wait3A_52 = arith.constant 0 : i32
      %dma_wait3A_53 = arith.constant 0 : i32
      %dma_wait3A_54 = tpu.memref_slice %arg6[%dma_wait3A_52, %dma_wait3A_53] : memref<320000x16xf32, #tpu.memory_space<hbm>> -> memref<80x16xf32, #tpu.memory_space<hbm>>
      %dma_wait3A_55 = arith.constant 0 : i32
      %dma_wait3A_56 = arith.constant 0 : i32
      %dma_wait3A_57 = tpu.memref_slice %arg6[%dma_wait3A_55, %dma_wait3A_56] : memref<320000x16xf32, #tpu.memory_space<hbm>> -> memref<80x16xf32, #tpu.memory_space<hbm>>
      tpu.wait_dma2 semaphore(%arg18 : memref<!tpu.dma_semaphore, #tpu.memory_space<semaphore_mem>>) src(%dma_wait3A_57 : memref<80x16xf32, #tpu.memory_space<hbm>>) dst(%arg13 : memref<80x16xf32, #tpu.memory_space<vmem>>)
      %dma_start3A_58 = arith.constant 0 : i32
      %dma_start3A_59 = arith.constant 0 : i32
      %dma_start3A_60 = tpu.memref_slice %arg2[%dma_start3A_58, %dma_start3A_59] : memref<10000x96xf32, #tpu.memory_space<hbm>> -> memref<10000x96xf32, #tpu.memory_space<hbm>>
      tpu.enqueue_indirect_dma source(%dma_start3A_60 : memref<10000x96xf32, #tpu.memory_space<hbm>>) target(%arg15 : memref<80x96xf32, #tpu.memory_space<vmem>>) offsets(%arg9 : memref<80xi32, #tpu.memory_space<vmem>>) semaphore(%arg20 : memref<!tpu.dma_semaphore, #tpu.memory_space<semaphore_mem>>)
      %scan3A_61 = arith.constant 0 : i32
      %scan3A_62 = arith.constant 0 : i32
      %scan3A_63 = arith.constant 125 : i32
      %scan3A_64 = arith.addi %scan3A_62, %scan3A_63 : i32
      %scan3A_65 = arith.constant 1 : i32
      scf.for %scan3A_67 = %scan3A_62 to %scan3A_64 step %scan3A_65  : i32 {
        %mul3A_68 = arith.constant 2 : i32
        %mul3A_69 = arith.muli %mul3A_68, %scan3A_67 : i32
        %add3A_70 = arith.constant 0 : i32
        %add3A_71 = arith.addi %mul3A_69, %add3A_70 : i32
        %add3A_72 = arith.constant 1 : i32
        %add3A_73 = arith.addi %add3A_71, %add3A_72 : i32
        %lt3A = arith.constant 250 : i32
        %lt3A_74 = arith.cmpi slt, %add3A_73, %lt3A : i32
        %convert_element_type3A_75 = arith.extui %lt3A_74 : i1 to i32
        %cond3A_76 = arith.constant 0 : i32
        %cond3A_77 = arith.cmpi ne, %convert_element_type3A_75, %cond3A_76 : i32
        scf.if %cond3A_77 {
          %dma_wait3A_109 = arith.constant 0 : i32
          %dma_wait3A_110 = tpu.memref_slice %arg4[%dma_wait3A_109] : memref<320000xi32, #tpu.memory_space<hbm>> -> memref<80xi32, #tpu.memory_space<hbm>>
          %dma_wait3A_111 = arith.constant 0 : i32
          %dma_wait3A_112 = tpu.memref_slice %arg4[%dma_wait3A_111] : memref<320000xi32, #tpu.memory_space<hbm>> -> memref<80xi32, #tpu.memory_space<hbm>>
          tpu.wait_dma2 semaphore(%arg19 : memref<!tpu.dma_semaphore, #tpu.memory_space<semaphore_mem>>) src(%dma_wait3A_112 : memref<80xi32, #tpu.memory_space<hbm>>) dst(%arg10 : memref<80xi32, #tpu.memory_space<vmem>>)
          %dma_wait3A_113 = arith.constant 0 : i32
          %dma_wait3A_114 = tpu.memref_slice %arg5[%dma_wait3A_113] : memref<320000xi32, #tpu.memory_space<hbm>> -> memref<80xi32, #tpu.memory_space<hbm>>
          %dma_wait3A_115 = arith.constant 0 : i32
          %dma_wait3A_116 = tpu.memref_slice %arg5[%dma_wait3A_115] : memref<320000xi32, #tpu.memory_space<hbm>> -> memref<80xi32, #tpu.memory_space<hbm>>
          tpu.wait_dma2 semaphore(%arg19 : memref<!tpu.dma_semaphore, #tpu.memory_space<semaphore_mem>>) src(%dma_wait3A_116 : memref<80xi32, #tpu.memory_space<hbm>>) dst(%arg12 : memref<80xi32, #tpu.memory_space<vmem>>)
          %dma_wait3A_117 = arith.constant 0 : i32
          %dma_wait3A_118 = arith.constant 0 : i32
          %dma_wait3A_119 = tpu.memref_slice %arg6[%dma_wait3A_117, %dma_wait3A_118] : memref<320000x16xf32, #tpu.memory_space<hbm>> -> memref<80x16xf32, #tpu.memory_space<hbm>>
          %dma_wait3A_120 = arith.constant 0 : i32
          %dma_wait3A_121 = arith.constant 0 : i32
          %dma_wait3A_122 = tpu.memref_slice %arg6[%dma_wait3A_120, %dma_wait3A_121] : memref<320000x16xf32, #tpu.memory_space<hbm>> -> memref<80x16xf32, #tpu.memory_space<hbm>>
          tpu.wait_dma2 semaphore(%arg19 : memref<!tpu.dma_semaphore, #tpu.memory_space<semaphore_mem>>) src(%dma_wait3A_122 : memref<80x16xf32, #tpu.memory_space<hbm>>) dst(%arg14 : memref<80x16xf32, #tpu.memory_space<vmem>>)
          %dma_start3A_123 = arith.constant 0 : i32
          %dma_start3A_124 = arith.constant 0 : i32
          %dma_start3A_125 = tpu.memref_slice %arg2[%dma_start3A_123, %dma_start3A_124] : memref<10000x96xf32, #tpu.memory_space<hbm>> -> memref<10000x96xf32, #tpu.memory_space<hbm>>
          tpu.enqueue_indirect_dma source(%dma_start3A_125 : memref<10000x96xf32, #tpu.memory_space<hbm>>) target(%arg16 : memref<80x96xf32, #tpu.memory_space<vmem>>) offsets(%arg10 : memref<80xi32, #tpu.memory_space<vmem>>) semaphore(%arg21 : memref<!tpu.dma_semaphore, #tpu.memory_space<semaphore_mem>>)
        } else {
        }
        %dma_wait3A_78 = arith.constant 0 : i32
        %dma_wait3A_79 = arith.constant 0 : i32
        %dma_wait3A_80 = tpu.memref_slice %arg2[%dma_wait3A_78, %dma_wait3A_79] : memref<10000x96xf32, #tpu.memory_space<hbm>> -> memref<10000x96xf32, #tpu.memory_space<hbm>>
        tpu.wait_indirect_dma semaphore(%arg20 : memref<!tpu.dma_semaphore, #tpu.memory_space<semaphore_mem>>) src(%dma_wait3A_80 : memref<10000x96xf32, #tpu.memory_space<hbm>>) dst(%arg15 : memref<80x96xf32, #tpu.memory_space<vmem>>)
        %add3A_81 = arith.constant 2 : i32
        %add3A_82 = arith.addi %add3A_71, %add3A_81 : i32
        %lt3A_83 = arith.constant 250 : i32
        %lt3A_84 = arith.cmpi slt, %add3A_82, %lt3A_83 : i32
        %convert_element_type3A_85 = arith.extui %lt3A_84 : i1 to i32
        %cond3A_86 = arith.constant 0 : i32
        %cond3A_87 = arith.cmpi ne, %convert_element_type3A_85, %cond3A_86 : i32
        scf.if %cond3A_87 {
          %add3A_109 = arith.constant 2 : i32
          %add3A_110 = arith.addi %add3A_71, %add3A_109 : i32
          %mul3A_111 = arith.constant 80 : i32
          %mul3A_112 = arith.muli %add3A_110, %mul3A_111 : i32
          %add3A_113 = arith.addi %mul3A_12, %mul3A_112 : i32
          %dma_start3A_114 = tpu.memref_slice %arg4[%add3A_113] : memref<320000xi32, #tpu.memory_space<hbm>> -> memref<80xi32, #tpu.memory_space<hbm>>
          %dma_start3A_115 = tpu.memref_slice %arg4[%add3A_113] : memref<320000xi32, #tpu.memory_space<hbm>> -> memref<80xi32, #tpu.memory_space<hbm>>
          tpu.enqueue_dma source(%dma_start3A_115 : memref<80xi32, #tpu.memory_space<hbm>>) target(%arg9 : memref<80xi32, #tpu.memory_space<vmem>>) target_semaphore(%arg18 : memref<!tpu.dma_semaphore, #tpu.memory_space<semaphore_mem>>)
          %dma_start3A_116 = tpu.memref_slice %arg5[%add3A_113] : memref<320000xi32, #tpu.memory_space<hbm>> -> memref<80xi32, #tpu.memory_space<hbm>>
          %dma_start3A_117 = tpu.memref_slice %arg5[%add3A_113] : memref<320000xi32, #tpu.memory_space<hbm>> -> memref<80xi32, #tpu.memory_space<hbm>>
          tpu.enqueue_dma source(%dma_start3A_117 : memref<80xi32, #tpu.memory_space<hbm>>) target(%arg11 : memref<80xi32, #tpu.memory_space<vmem>>) target_semaphore(%arg18 : memref<!tpu.dma_semaphore, #tpu.memory_space<semaphore_mem>>)
          %dma_start3A_118 = arith.constant 0 : i32
          %dma_start3A_119 = tpu.memref_slice %arg6[%add3A_113, %dma_start3A_118] : memref<320000x16xf32, #tpu.memory_space<hbm>> -> memref<80x16xf32, #tpu.memory_space<hbm>>
          %dma_start3A_120 = arith.constant 0 : i32
          %dma_start3A_121 = tpu.memref_slice %arg6[%add3A_113, %dma_start3A_120] : memref<320000x16xf32, #tpu.memory_space<hbm>> -> memref<80x16xf32, #tpu.memory_space<hbm>>
          tpu.enqueue_dma source(%dma_start3A_121 : memref<80x16xf32, #tpu.memory_space<hbm>>) target(%arg13 : memref<80x16xf32, #tpu.memory_space<vmem>>) target_semaphore(%arg18 : memref<!tpu.dma_semaphore, #tpu.memory_space<semaphore_mem>>)
        } else {
        }
        %mul3A_88 = arith.constant 2 : i32
        %mul3A_89 = arith.muli %mul3A_88, %scan3A_67 : i32
        %add3A_90 = arith.constant 1 : i32
        %add3A_91 = arith.addi %mul3A_89, %add3A_90 : i32
        %add3A_92 = arith.constant 1 : i32
        %add3A_93 = arith.addi %add3A_91, %add3A_92 : i32
        %lt3A_94 = arith.constant 250 : i32
        %lt3A_95 = arith.cmpi slt, %add3A_93, %lt3A_94 : i32
        %convert_element_type3A_96 = arith.extui %lt3A_95 : i1 to i32
        %cond3A_97 = arith.constant 0 : i32
        %cond3A_98 = arith.cmpi ne, %convert_element_type3A_96, %cond3A_97 : i32
        scf.if %cond3A_98 {
          %dma_wait3A_109 = arith.constant 0 : i32
          %dma_wait3A_110 = tpu.memref_slice %arg4[%dma_wait3A_109] : memref<320000xi32, #tpu.memory_space<hbm>> -> memref<80xi32, #tpu.memory_space<hbm>>
          %dma_wait3A_111 = arith.constant 0 : i32
          %dma_wait3A_112 = tpu.memref_slice %arg4[%dma_wait3A_111] : memref<320000xi32, #tpu.memory_space<hbm>> -> memref<80xi32, #tpu.memory_space<hbm>>
          tpu.wait_dma2 semaphore(%arg18 : memref<!tpu.dma_semaphore, #tpu.memory_space<semaphore_mem>>) src(%dma_wait3A_112 : memref<80xi32, #tpu.memory_space<hbm>>) dst(%arg9 : memref<80xi32, #tpu.memory_space<vmem>>)
          %dma_wait3A_113 = arith.constant 0 : i32
          %dma_wait3A_114 = tpu.memref_slice %arg5[%dma_wait3A_113] : memref<320000xi32, #tpu.memory_space<hbm>> -> memref<80xi32, #tpu.memory_space<hbm>>
          %dma_wait3A_115 = arith.constant 0 : i32
          %dma_wait3A_116 = tpu.memref_slice %arg5[%dma_wait3A_115] : memref<320000xi32, #tpu.memory_space<hbm>> -> memref<80xi32, #tpu.memory_space<hbm>>
          tpu.wait_dma2 semaphore(%arg18 : memref<!tpu.dma_semaphore, #tpu.memory_space<semaphore_mem>>) src(%dma_wait3A_116 : memref<80xi32, #tpu.memory_space<hbm>>) dst(%arg11 : memref<80xi32, #tpu.memory_space<vmem>>)
          %dma_wait3A_117 = arith.constant 0 : i32
          %dma_wait3A_118 = arith.constant 0 : i32
          %dma_wait3A_119 = tpu.memref_slice %arg6[%dma_wait3A_117, %dma_wait3A_118] : memref<320000x16xf32, #tpu.memory_space<hbm>> -> memref<80x16xf32, #tpu.memory_space<hbm>>
          %dma_wait3A_120 = arith.constant 0 : i32
          %dma_wait3A_121 = arith.constant 0 : i32
          %dma_wait3A_122 = tpu.memref_slice %arg6[%dma_wait3A_120, %dma_wait3A_121] : memref<320000x16xf32, #tpu.memory_space<hbm>> -> memref<80x16xf32, #tpu.memory_space<hbm>>
          tpu.wait_dma2 semaphore(%arg18 : memref<!tpu.dma_semaphore, #tpu.memory_space<semaphore_mem>>) src(%dma_wait3A_122 : memref<80x16xf32, #tpu.memory_space<hbm>>) dst(%arg13 : memref<80x16xf32, #tpu.memory_space<vmem>>)
          %dma_start3A_123 = arith.constant 0 : i32
          %dma_start3A_124 = arith.constant 0 : i32
          %dma_start3A_125 = tpu.memref_slice %arg2[%dma_start3A_123, %dma_start3A_124] : memref<10000x96xf32, #tpu.memory_space<hbm>> -> memref<10000x96xf32, #tpu.memory_space<hbm>>
          tpu.enqueue_indirect_dma source(%dma_start3A_125 : memref<10000x96xf32, #tpu.memory_space<hbm>>) target(%arg15 : memref<80x96xf32, #tpu.memory_space<vmem>>) offsets(%arg9 : memref<80xi32, #tpu.memory_space<vmem>>) semaphore(%arg20 : memref<!tpu.dma_semaphore, #tpu.memory_space<semaphore_mem>>)
        } else {
        }
        %dma_wait3A_99 = arith.constant 0 : i32
        %dma_wait3A_100 = arith.constant 0 : i32
        %dma_wait3A_101 = tpu.memref_slice %arg2[%dma_wait3A_99, %dma_wait3A_100] : memref<10000x96xf32, #tpu.memory_space<hbm>> -> memref<10000x96xf32, #tpu.memory_space<hbm>>
        tpu.wait_indirect_dma semaphore(%arg21 : memref<!tpu.dma_semaphore, #tpu.memory_space<semaphore_mem>>) src(%dma_wait3A_101 : memref<10000x96xf32, #tpu.memory_space<hbm>>) dst(%arg16 : memref<80x96xf32, #tpu.memory_space<vmem>>)
        %add3A_102 = arith.constant 2 : i32
        %add3A_103 = arith.addi %add3A_91, %add3A_102 : i32
        %lt3A_104 = arith.constant 250 : i32
        %lt3A_105 = arith.cmpi slt, %add3A_103, %lt3A_104 : i32
        %convert_element_type3A_106 = arith.extui %lt3A_105 : i1 to i32
        %cond3A_107 = arith.constant 0 : i32
        %cond3A_108 = arith.cmpi ne, %convert_element_type3A_106, %cond3A_107 : i32
        scf.if %cond3A_108 {
          %add3A_109 = arith.constant 2 : i32
          %add3A_110 = arith.addi %add3A_91, %add3A_109 : i32
          %mul3A_111 = arith.constant 80 : i32
          %mul3A_112 = arith.muli %add3A_110, %mul3A_111 : i32
          %add3A_113 = arith.addi %mul3A_12, %mul3A_112 : i32
          %dma_start3A_114 = tpu.memref_slice %arg4[%add3A_113] : memref<320000xi32, #tpu.memory_space<hbm>> -> memref<80xi32, #tpu.memory_space<hbm>>
          %dma_start3A_115 = tpu.memref_slice %arg4[%add3A_113] : memref<320000xi32, #tpu.memory_space<hbm>> -> memref<80xi32, #tpu.memory_space<hbm>>
          tpu.enqueue_dma source(%dma_start3A_115 : memref<80xi32, #tpu.memory_space<hbm>>) target(%arg10 : memref<80xi32, #tpu.memory_space<vmem>>) target_semaphore(%arg19 : memref<!tpu.dma_semaphore, #tpu.memory_space<semaphore_mem>>)
          %dma_start3A_116 = tpu.memref_slice %arg5[%add3A_113] : memref<320000xi32, #tpu.memory_space<hbm>> -> memref<80xi32, #tpu.memory_space<hbm>>
          %dma_start3A_117 = tpu.memref_slice %arg5[%add3A_113] : memref<320000xi32, #tpu.memory_space<hbm>> -> memref<80xi32, #tpu.memory_space<hbm>>
          tpu.enqueue_dma source(%dma_start3A_117 : memref<80xi32, #tpu.memory_space<hbm>>) target(%arg12 : memref<80xi32, #tpu.memory_space<vmem>>) target_semaphore(%arg19 : memref<!tpu.dma_semaphore, #tpu.memory_space<semaphore_mem>>)
          %dma_start3A_118 = arith.constant 0 : i32
          %dma_start3A_119 = tpu.memref_slice %arg6[%add3A_113, %dma_start3A_118] : memref<320000x16xf32, #tpu.memory_space<hbm>> -> memref<80x16xf32, #tpu.memory_space<hbm>>
          %dma_start3A_120 = arith.constant 0 : i32
          %dma_start3A_121 = tpu.memref_slice %arg6[%add3A_113, %dma_start3A_120] : memref<320000x16xf32, #tpu.memory_space<hbm>> -> memref<80x16xf32, #tpu.memory_space<hbm>>
          tpu.enqueue_dma source(%dma_start3A_121 : memref<80x16xf32, #tpu.memory_space<hbm>>) target(%arg14 : memref<80x16xf32, #tpu.memory_space<vmem>>) target_semaphore(%arg19 : memref<!tpu.dma_semaphore, #tpu.memory_space<semaphore_mem>>)
        } else {
        }
      }
      %scan3A_66 = arith.constant 125 : i32
    } else {
    }
    %eq3A_15 = arith.constant 1 : i32
    %eq3A_16 = arith.cmpi eq, %arg0, %eq3A_15 : i32
    %convert_element_type3A_17 = arith.extui %eq3A_16 : i1 to i32
    %cond3A_18 = arith.constant 0 : i32
    %cond3A_19 = arith.cmpi ne, %convert_element_type3A_17, %cond3A_18 : i32
    scf.if %cond3A_19 {
      %add3A = arith.constant 0 : i32
      %add3A_27 = arith.addi %mul3A_12, %add3A : i32
      %dma_start3A = tpu.memref_slice %arg4[%add3A_27] : memref<320000xi32, #tpu.memory_space<hbm>> -> memref<80xi32, #tpu.memory_space<hbm>>
      %dma_start3A_28 = tpu.memref_slice %arg4[%add3A_27] : memref<320000xi32, #tpu.memory_space<hbm>> -> memref<80xi32, #tpu.memory_space<hbm>>
      tpu.enqueue_dma source(%dma_start3A_28 : memref<80xi32, #tpu.memory_space<hbm>>) target(%arg9 : memref<80xi32, #tpu.memory_space<vmem>>) target_semaphore(%arg18 : memref<!tpu.dma_semaphore, #tpu.memory_space<semaphore_mem>>)
      %dma_start3A_29 = tpu.memref_slice %arg5[%add3A_27] : memref<320000xi32, #tpu.memory_space<hbm>> -> memref<80xi32, #tpu.memory_space<hbm>>
      %dma_start3A_30 = tpu.memref_slice %arg5[%add3A_27] : memref<320000xi32, #tpu.memory_space<hbm>> -> memref<80xi32, #tpu.memory_space<hbm>>
      tpu.enqueue_dma source(%dma_start3A_30 : memref<80xi32, #tpu.memory_space<hbm>>) target(%arg11 : memref<80xi32, #tpu.memory_space<vmem>>) target_semaphore(%arg18 : memref<!tpu.dma_semaphore, #tpu.memory_space<semaphore_mem>>)
      %dma_start3A_31 = arith.constant 0 : i32
      %dma_start3A_32 = tpu.memref_slice %arg6[%add3A_27, %dma_start3A_31] : memref<320000x16xf32, #tpu.memory_space<hbm>> -> memref<80x16xf32, #tpu.memory_space<hbm>>
      %dma_start3A_33 = arith.constant 0 : i32
      %dma_start3A_34 = tpu.memref_slice %arg6[%add3A_27, %dma_start3A_33] : memref<320000x16xf32, #tpu.memory_space<hbm>> -> memref<80x16xf32, #tpu.memory_space<hbm>>
      tpu.enqueue_dma source(%dma_start3A_34 : memref<80x16xf32, #tpu.memory_space<hbm>>) target(%arg13 : memref<80x16xf32, #tpu.memory_space<vmem>>) target_semaphore(%arg18 : memref<!tpu.dma_semaphore, #tpu.memory_space<semaphore_mem>>)
      %add3A_35 = arith.constant 80 : i32
      %add3A_36 = arith.addi %mul3A_12, %add3A_35 : i32
      %dma_start3A_37 = tpu.memref_slice %arg4[%add3A_36] : memref<320000xi32, #tpu.memory_space<hbm>> -> memref<80xi32, #tpu.memory_space<hbm>>
      %dma_start3A_38 = tpu.memref_slice %arg4[%add3A_36] : memref<320000xi32, #tpu.memory_space<hbm>> -> memref<80xi32, #tpu.memory_space<hbm>>
      tpu.enqueue_dma source(%dma_start3A_38 : memref<80xi32, #tpu.memory_space<hbm>>) target(%arg10 : memref<80xi32, #tpu.memory_space<vmem>>) target_semaphore(%arg19 : memref<!tpu.dma_semaphore, #tpu.memory_space<semaphore_mem>>)
      %dma_start3A_39 = tpu.memref_slice %arg5[%add3A_36] : memref<320000xi32, #tpu.memory_space<hbm>> -> memref<80xi32, #tpu.memory_space<hbm>>
      %dma_start3A_40 = tpu.memref_slice %arg5[%add3A_36] : memref<320000xi32, #tpu.memory_space<hbm>> -> memref<80xi32, #tpu.memory_space<hbm>>
      tpu.enqueue_dma source(%dma_start3A_40 : memref<80xi32, #tpu.memory_space<hbm>>) target(%arg12 : memref<80xi32, #tpu.memory_space<vmem>>) target_semaphore(%arg19 : memref<!tpu.dma_semaphore, #tpu.memory_space<semaphore_mem>>)
      %dma_start3A_41 = arith.constant 0 : i32
      %dma_start3A_42 = tpu.memref_slice %arg6[%add3A_36, %dma_start3A_41] : memref<320000x16xf32, #tpu.memory_space<hbm>> -> memref<80x16xf32, #tpu.memory_space<hbm>>
      %dma_start3A_43 = arith.constant 0 : i32
      %dma_start3A_44 = tpu.memref_slice %arg6[%add3A_36, %dma_start3A_43] : memref<320000x16xf32, #tpu.memory_space<hbm>> -> memref<80x16xf32, #tpu.memory_space<hbm>>
      tpu.enqueue_dma source(%dma_start3A_44 : memref<80x16xf32, #tpu.memory_space<hbm>>) target(%arg14 : memref<80x16xf32, #tpu.memory_space<vmem>>) target_semaphore(%arg19 : memref<!tpu.dma_semaphore, #tpu.memory_space<semaphore_mem>>)
      %dma_wait3A = arith.constant 0 : i32
      %dma_wait3A_45 = tpu.memref_slice %arg4[%dma_wait3A] : memref<320000xi32, #tpu.memory_space<hbm>> -> memref<80xi32, #tpu.memory_space<hbm>>
      %dma_wait3A_46 = arith.constant 0 : i32
      %dma_wait3A_47 = tpu.memref_slice %arg4[%dma_wait3A_46] : memref<320000xi32, #tpu.memory_space<hbm>> -> memref<80xi32, #tpu.memory_space<hbm>>
      tpu.wait_dma2 semaphore(%arg18 : memref<!tpu.dma_semaphore, #tpu.memory_space<semaphore_mem>>) src(%dma_wait3A_47 : memref<80xi32, #tpu.memory_space<hbm>>) dst(%arg9 : memref<80xi32, #tpu.memory_space<vmem>>)
      %dma_wait3A_48 = arith.constant 0 : i32
      %dma_wait3A_49 = tpu.memref_slice %arg5[%dma_wait3A_48] : memref<320000xi32, #tpu.memory_space<hbm>> -> memref<80xi32, #tpu.memory_space<hbm>>
      %dma_wait3A_50 = arith.constant 0 : i32
      %dma_wait3A_51 = tpu.memref_slice %arg5[%dma_wait3A_50] : memref<320000xi32, #tpu.memory_space<hbm>> -> memref<80xi32, #tpu.memory_space<hbm>>
      tpu.wait_dma2 semaphore(%arg18 : memref<!tpu.dma_semaphore, #tpu.memory_space<semaphore_mem>>) src(%dma_wait3A_51 : memref<80xi32, #tpu.memory_space<hbm>>) dst(%arg11 : memref<80xi32, #tpu.memory_space<vmem>>)
      %dma_wait3A_52 = arith.constant 0 : i32
      %dma_wait3A_53 = arith.constant 0 : i32
      %dma_wait3A_54 = tpu.memref_slice %arg6[%dma_wait3A_52, %dma_wait3A_53] : memref<320000x16xf32, #tpu.memory_space<hbm>> -> memref<80x16xf32, #tpu.memory_space<hbm>>
      %dma_wait3A_55 = arith.constant 0 : i32
      %dma_wait3A_56 = arith.constant 0 : i32
      %dma_wait3A_57 = tpu.memref_slice %arg6[%dma_wait3A_55, %dma_wait3A_56] : memref<320000x16xf32, #tpu.memory_space<hbm>> -> memref<80x16xf32, #tpu.memory_space<hbm>>
      tpu.wait_dma2 semaphore(%arg18 : memref<!tpu.dma_semaphore, #tpu.memory_space<semaphore_mem>>) src(%dma_wait3A_57 : memref<80x16xf32, #tpu.memory_space<hbm>>) dst(%arg13 : memref<80x16xf32, #tpu.memory_space<vmem>>)
      %dma_start3A_58 = arith.constant 0 : i32
      %dma_start3A_59 = arith.constant 0 : i32
      %dma_start3A_60 = tpu.memref_slice %arg3[%dma_start3A_58, %dma_start3A_59] : memref<10000x96xf32, #tpu.memory_space<hbm>> -> memref<10000x96xf32, #tpu.memory_space<hbm>>
      tpu.enqueue_indirect_dma source(%dma_start3A_60 : memref<10000x96xf32, #tpu.memory_space<hbm>>) target(%arg15 : memref<80x96xf32, #tpu.memory_space<vmem>>) offsets(%arg9 : memref<80xi32, #tpu.memory_space<vmem>>) semaphore(%arg20 : memref<!tpu.dma_semaphore, #tpu.memory_space<semaphore_mem>>)
      %scan3A_61 = arith.constant 0 : i32
      %scan3A_62 = arith.constant 0 : i32
      %scan3A_63 = arith.constant 125 : i32
      %scan3A_64 = arith.addi %scan3A_62, %scan3A_63 : i32
      %scan3A_65 = arith.constant 1 : i32
      scf.for %scan3A_67 = %scan3A_62 to %scan3A_64 step %scan3A_65  : i32 {
        %mul3A_68 = arith.constant 2 : i32
        %mul3A_69 = arith.muli %mul3A_68, %scan3A_67 : i32
        %add3A_70 = arith.constant 0 : i32
        %add3A_71 = arith.addi %mul3A_69, %add3A_70 : i32
        %add3A_72 = arith.constant 1 : i32
        %add3A_73 = arith.addi %add3A_71, %add3A_72 : i32
        %lt3A = arith.constant 250 : i32
        %lt3A_74 = arith.cmpi slt, %add3A_73, %lt3A : i32
        %convert_element_type3A_75 = arith.extui %lt3A_74 : i1 to i32
        %cond3A_76 = arith.constant 0 : i32
        %cond3A_77 = arith.cmpi ne, %convert_element_type3A_75, %cond3A_76 : i32
        scf.if %cond3A_77 {
          %dma_wait3A_109 = arith.constant 0 : i32
          %dma_wait3A_110 = tpu.memref_slice %arg4[%dma_wait3A_109] : memref<320000xi32, #tpu.memory_space<hbm>> -> memref<80xi32, #tpu.memory_space<hbm>>
          %dma_wait3A_111 = arith.constant 0 : i32
          %dma_wait3A_112 = tpu.memref_slice %arg4[%dma_wait3A_111] : memref<320000xi32, #tpu.memory_space<hbm>> -> memref<80xi32, #tpu.memory_space<hbm>>
          tpu.wait_dma2 semaphore(%arg19 : memref<!tpu.dma_semaphore, #tpu.memory_space<semaphore_mem>>) src(%dma_wait3A_112 : memref<80xi32, #tpu.memory_space<hbm>>) dst(%arg10 : memref<80xi32, #tpu.memory_space<vmem>>)
          %dma_wait3A_113 = arith.constant 0 : i32
          %dma_wait3A_114 = tpu.memref_slice %arg5[%dma_wait3A_113] : memref<320000xi32, #tpu.memory_space<hbm>> -> memref<80xi32, #tpu.memory_space<hbm>>
          %dma_wait3A_115 = arith.constant 0 : i32
          %dma_wait3A_116 = tpu.memref_slice %arg5[%dma_wait3A_115] : memref<320000xi32, #tpu.memory_space<hbm>> -> memref<80xi32, #tpu.memory_space<hbm>>
          tpu.wait_dma2 semaphore(%arg19 : memref<!tpu.dma_semaphore, #tpu.memory_space<semaphore_mem>>) src(%dma_wait3A_116 : memref<80xi32, #tpu.memory_space<hbm>>) dst(%arg12 : memref<80xi32, #tpu.memory_space<vmem>>)
          %dma_wait3A_117 = arith.constant 0 : i32
          %dma_wait3A_118 = arith.constant 0 : i32
          %dma_wait3A_119 = tpu.memref_slice %arg6[%dma_wait3A_117, %dma_wait3A_118] : memref<320000x16xf32, #tpu.memory_space<hbm>> -> memref<80x16xf32, #tpu.memory_space<hbm>>
          %dma_wait3A_120 = arith.constant 0 : i32
          %dma_wait3A_121 = arith.constant 0 : i32
          %dma_wait3A_122 = tpu.memref_slice %arg6[%dma_wait3A_120, %dma_wait3A_121] : memref<320000x16xf32, #tpu.memory_space<hbm>> -> memref<80x16xf32, #tpu.memory_space<hbm>>
          tpu.wait_dma2 semaphore(%arg19 : memref<!tpu.dma_semaphore, #tpu.memory_space<semaphore_mem>>) src(%dma_wait3A_122 : memref<80x16xf32, #tpu.memory_space<hbm>>) dst(%arg14 : memref<80x16xf32, #tpu.memory_space<vmem>>)
          %dma_start3A_123 = arith.constant 0 : i32
          %dma_start3A_124 = arith.constant 0 : i32
          %dma_start3A_125 = tpu.memref_slice %arg3[%dma_start3A_123, %dma_start3A_124] : memref<10000x96xf32, #tpu.memory_space<hbm>> -> memref<10000x96xf32, #tpu.memory_space<hbm>>
          tpu.enqueue_indirect_dma source(%dma_start3A_125 : memref<10000x96xf32, #tpu.memory_space<hbm>>) target(%arg16 : memref<80x96xf32, #tpu.memory_space<vmem>>) offsets(%arg10 : memref<80xi32, #tpu.memory_space<vmem>>) semaphore(%arg21 : memref<!tpu.dma_semaphore, #tpu.memory_space<semaphore_mem>>)
        } else {
        }
        %dma_wait3A_78 = arith.constant 0 : i32
        %dma_wait3A_79 = arith.constant 0 : i32
        %dma_wait3A_80 = tpu.memref_slice %arg3[%dma_wait3A_78, %dma_wait3A_79] : memref<10000x96xf32, #tpu.memory_space<hbm>> -> memref<10000x96xf32, #tpu.memory_space<hbm>>
        tpu.wait_indirect_dma semaphore(%arg20 : memref<!tpu.dma_semaphore, #tpu.memory_space<semaphore_mem>>) src(%dma_wait3A_80 : memref<10000x96xf32, #tpu.memory_space<hbm>>) dst(%arg15 : memref<80x96xf32, #tpu.memory_space<vmem>>)
        %add3A_81 = arith.constant 2 : i32
        %add3A_82 = arith.addi %add3A_71, %add3A_81 : i32
        %lt3A_83 = arith.constant 250 : i32
        %lt3A_84 = arith.cmpi slt, %add3A_82, %lt3A_83 : i32
        %convert_element_type3A_85 = arith.extui %lt3A_84 : i1 to i32
        %cond3A_86 = arith.constant 0 : i32
        %cond3A_87 = arith.cmpi ne, %convert_element_type3A_85, %cond3A_86 : i32
        scf.if %cond3A_87 {
          %add3A_109 = arith.constant 2 : i32
          %add3A_110 = arith.addi %add3A_71, %add3A_109 : i32
          %mul3A_111 = arith.constant 80 : i32
          %mul3A_112 = arith.muli %add3A_110, %mul3A_111 : i32
          %add3A_113 = arith.addi %mul3A_12, %mul3A_112 : i32
          %dma_start3A_114 = tpu.memref_slice %arg4[%add3A_113] : memref<320000xi32, #tpu.memory_space<hbm>> -> memref<80xi32, #tpu.memory_space<hbm>>
          %dma_start3A_115 = tpu.memref_slice %arg4[%add3A_113] : memref<320000xi32, #tpu.memory_space<hbm>> -> memref<80xi32, #tpu.memory_space<hbm>>
          tpu.enqueue_dma source(%dma_start3A_115 : memref<80xi32, #tpu.memory_space<hbm>>) target(%arg9 : memref<80xi32, #tpu.memory_space<vmem>>) target_semaphore(%arg18 : memref<!tpu.dma_semaphore, #tpu.memory_space<semaphore_mem>>)
          %dma_start3A_116 = tpu.memref_slice %arg5[%add3A_113] : memref<320000xi32, #tpu.memory_space<hbm>> -> memref<80xi32, #tpu.memory_space<hbm>>
          %dma_start3A_117 = tpu.memref_slice %arg5[%add3A_113] : memref<320000xi32, #tpu.memory_space<hbm>> -> memref<80xi32, #tpu.memory_space<hbm>>
          tpu.enqueue_dma source(%dma_start3A_117 : memref<80xi32, #tpu.memory_space<hbm>>) target(%arg11 : memref<80xi32, #tpu.memory_space<vmem>>) target_semaphore(%arg18 : memref<!tpu.dma_semaphore, #tpu.memory_space<semaphore_mem>>)
          %dma_start3A_118 = arith.constant 0 : i32
          %dma_start3A_119 = tpu.memref_slice %arg6[%add3A_113, %dma_start3A_118] : memref<320000x16xf32, #tpu.memory_space<hbm>> -> memref<80x16xf32, #tpu.memory_space<hbm>>
          %dma_start3A_120 = arith.constant 0 : i32
          %dma_start3A_121 = tpu.memref_slice %arg6[%add3A_113, %dma_start3A_120] : memref<320000x16xf32, #tpu.memory_space<hbm>> -> memref<80x16xf32, #tpu.memory_space<hbm>>
          tpu.enqueue_dma source(%dma_start3A_121 : memref<80x16xf32, #tpu.memory_space<hbm>>) target(%arg13 : memref<80x16xf32, #tpu.memory_space<vmem>>) target_semaphore(%arg18 : memref<!tpu.dma_semaphore, #tpu.memory_space<semaphore_mem>>)
        } else {
        }
        %mul3A_88 = arith.constant 2 : i32
        %mul3A_89 = arith.muli %mul3A_88, %scan3A_67 : i32
        %add3A_90 = arith.constant 1 : i32
        %add3A_91 = arith.addi %mul3A_89, %add3A_90 : i32
        %add3A_92 = arith.constant 1 : i32
        %add3A_93 = arith.addi %add3A_91, %add3A_92 : i32
        %lt3A_94 = arith.constant 250 : i32
        %lt3A_95 = arith.cmpi slt, %add3A_93, %lt3A_94 : i32
        %convert_element_type3A_96 = arith.extui %lt3A_95 : i1 to i32
        %cond3A_97 = arith.constant 0 : i32
        %cond3A_98 = arith.cmpi ne, %convert_element_type3A_96, %cond3A_97 : i32
        scf.if %cond3A_98 {
          %dma_wait3A_109 = arith.constant 0 : i32
          %dma_wait3A_110 = tpu.memref_slice %arg4[%dma_wait3A_109] : memref<320000xi32, #tpu.memory_space<hbm>> -> memref<80xi32, #tpu.memory_space<hbm>>
          %dma_wait3A_111 = arith.constant 0 : i32
          %dma_wait3A_112 = tpu.memref_slice %arg4[%dma_wait3A_111] : memref<320000xi32, #tpu.memory_space<hbm>> -> memref<80xi32, #tpu.memory_space<hbm>>
          tpu.wait_dma2 semaphore(%arg18 : memref<!tpu.dma_semaphore, #tpu.memory_space<semaphore_mem>>) src(%dma_wait3A_112 : memref<80xi32, #tpu.memory_space<hbm>>) dst(%arg9 : memref<80xi32, #tpu.memory_space<vmem>>)
          %dma_wait3A_113 = arith.constant 0 : i32
          %dma_wait3A_114 = tpu.memref_slice %arg5[%dma_wait3A_113] : memref<320000xi32, #tpu.memory_space<hbm>> -> memref<80xi32, #tpu.memory_space<hbm>>
          %dma_wait3A_115 = arith.constant 0 : i32
          %dma_wait3A_116 = tpu.memref_slice %arg5[%dma_wait3A_115] : memref<320000xi32, #tpu.memory_space<hbm>> -> memref<80xi32, #tpu.memory_space<hbm>>
          tpu.wait_dma2 semaphore(%arg18 : memref<!tpu.dma_semaphore, #tpu.memory_space<semaphore_mem>>) src(%dma_wait3A_116 : memref<80xi32, #tpu.memory_space<hbm>>) dst(%arg11 : memref<80xi32, #tpu.memory_space<vmem>>)
          %dma_wait3A_117 = arith.constant 0 : i32
          %dma_wait3A_118 = arith.constant 0 : i32
          %dma_wait3A_119 = tpu.memref_slice %arg6[%dma_wait3A_117, %dma_wait3A_118] : memref<320000x16xf32, #tpu.memory_space<hbm>> -> memref<80x16xf32, #tpu.memory_space<hbm>>
          %dma_wait3A_120 = arith.constant 0 : i32
          %dma_wait3A_121 = arith.constant 0 : i32
          %dma_wait3A_122 = tpu.memref_slice %arg6[%dma_wait3A_120, %dma_wait3A_121] : memref<320000x16xf32, #tpu.memory_space<hbm>> -> memref<80x16xf32, #tpu.memory_space<hbm>>
          tpu.wait_dma2 semaphore(%arg18 : memref<!tpu.dma_semaphore, #tpu.memory_space<semaphore_mem>>) src(%dma_wait3A_122 : memref<80x16xf32, #tpu.memory_space<hbm>>) dst(%arg13 : memref<80x16xf32, #tpu.memory_space<vmem>>)
          %dma_start3A_123 = arith.constant 0 : i32
          %dma_start3A_124 = arith.constant 0 : i32
          %dma_start3A_125 = tpu.memref_slice %arg3[%dma_start3A_123, %dma_start3A_124] : memref<10000x96xf32, #tpu.memory_space<hbm>> -> memref<10000x96xf32, #tpu.memory_space<hbm>>
          tpu.enqueue_indirect_dma source(%dma_start3A_125 : memref<10000x96xf32, #tpu.memory_space<hbm>>) target(%arg15 : memref<80x96xf32, #tpu.memory_space<vmem>>) offsets(%arg9 : memref<80xi32, #tpu.memory_space<vmem>>) semaphore(%arg20 : memref<!tpu.dma_semaphore, #tpu.memory_space<semaphore_mem>>)
        } else {
        }
        %dma_wait3A_99 = arith.constant 0 : i32
        %dma_wait3A_100 = arith.constant 0 : i32
        %dma_wait3A_101 = tpu.memref_slice %arg3[%dma_wait3A_99, %dma_wait3A_100] : memref<10000x96xf32, #tpu.memory_space<hbm>> -> memref<10000x96xf32, #tpu.memory_space<hbm>>
        tpu.wait_indirect_dma semaphore(%arg21 : memref<!tpu.dma_semaphore, #tpu.memory_space<semaphore_mem>>) src(%dma_wait3A_101 : memref<10000x96xf32, #tpu.memory_space<hbm>>) dst(%arg16 : memref<80x96xf32, #tpu.memory_space<vmem>>)
        %add3A_102 = arith.constant 2 : i32
        %add3A_103 = arith.addi %add3A_91, %add3A_102 : i32
        %lt3A_104 = arith.constant 250 : i32
        %lt3A_105 = arith.cmpi slt, %add3A_103, %lt3A_104 : i32
        %convert_element_type3A_106 = arith.extui %lt3A_105 : i1 to i32
        %cond3A_107 = arith.constant 0 : i32
        %cond3A_108 = arith.cmpi ne, %convert_element_type3A_106, %cond3A_107 : i32
        scf.if %cond3A_108 {
          %add3A_109 = arith.constant 2 : i32
          %add3A_110 = arith.addi %add3A_91, %add3A_109 : i32
          %mul3A_111 = arith.constant 80 : i32
          %mul3A_112 = arith.muli %add3A_110, %mul3A_111 : i32
          %add3A_113 = arith.addi %mul3A_12, %mul3A_112 : i32
          %dma_start3A_114 = tpu.memref_slice %arg4[%add3A_113] : memref<320000xi32, #tpu.memory_space<hbm>> -> memref<80xi32, #tpu.memory_space<hbm>>
          %dma_start3A_115 = tpu.memref_slice %arg4[%add3A_113] : memref<320000xi32, #tpu.memory_space<hbm>> -> memref<80xi32, #tpu.memory_space<hbm>>
          tpu.enqueue_dma source(%dma_start3A_115 : memref<80xi32, #tpu.memory_space<hbm>>) target(%arg10 : memref<80xi32, #tpu.memory_space<vmem>>) target_semaphore(%arg19 : memref<!tpu.dma_semaphore, #tpu.memory_space<semaphore_mem>>)
          %dma_start3A_116 = tpu.memref_slice %arg5[%add3A_113] : memref<320000xi32, #tpu.memory_space<hbm>> -> memref<80xi32, #tpu.memory_space<hbm>>
          %dma_start3A_117 = tpu.memref_slice %arg5[%add3A_113] : memref<320000xi32, #tpu.memory_space<hbm>> -> memref<80xi32, #tpu.memory_space<hbm>>
          tpu.enqueue_dma source(%dma_start3A_117 : memref<80xi32, #tpu.memory_space<hbm>>) target(%arg12 : memref<80xi32, #tpu.memory_space<vmem>>) target_semaphore(%arg19 : memref<!tpu.dma_semaphore, #tpu.memory_space<semaphore_mem>>)
          %dma_start3A_118 = arith.constant 0 : i32
          %dma_start3A_119 = tpu.memref_slice %arg6[%add3A_113, %dma_start3A_118] : memref<320000x16xf32, #tpu.memory_space<hbm>> -> memref<80x16xf32, #tpu.memory_space<hbm>>
          %dma_start3A_120 = arith.constant 0 : i32
          %dma_start3A_121 = tpu.memref_slice %arg6[%add3A_113, %dma_start3A_120] : memref<320000x16xf32, #tpu.memory_space<hbm>> -> memref<80x16xf32, #tpu.memory_space<hbm>>
          tpu.enqueue_dma source(%dma_start3A_121 : memref<80x16xf32, #tpu.memory_space<hbm>>) target(%arg14 : memref<80x16xf32, #tpu.memory_space<vmem>>) target_semaphore(%arg19 : memref<!tpu.dma_semaphore, #tpu.memory_space<semaphore_mem>>)
        } else {
        }
      }
      %scan3A_66 = arith.constant 125 : i32
    } else {
    }
    %barrier3A_20 = arith.constant 0 : index
    tpu.barrier barrier_id(%barrier3A_20)
    %scan3A_21 = arith.constant 0 : i32
    %scan3A_22 = arith.constant 0 : i32
    %scan3A_23 = arith.constant 8 : i32
    %scan3A_24 = arith.addi %scan3A_22, %scan3A_23 : i32
    %scan3A_25 = arith.constant 1 : i32
    scf.for %scan3A_27 = %scan3A_22 to %scan3A_24 step %scan3A_25  : i32 {
      %mul3A_28 = arith.constant 16 : i32
      %mul3A_29 = arith.muli %scan3A_27, %mul3A_28 : i32
      %add3A = arith.addi %arg1, %mul3A_29 : i32
      %lt3A = arith.constant 125 : i32
      %lt3A_30 = arith.cmpi slt, %add3A, %lt3A : i32
      %convert_element_type3A_31 = arith.extui %lt3A_30 : i1 to i32
      %cond3A_32 = arith.constant 0 : i32
      %cond3A_33 = arith.cmpi ne, %convert_element_type3A_31, %cond3A_32 : i32
      scf.if %cond3A_33 {
        %mul3A_34 = arith.constant 80 : i32
        %mul3A_35 = arith.muli %add3A, %mul3A_34 : i32
        %eq3A_36 = arith.constant 0 : i32
        %eq3A_37 = arith.cmpi eq, %arg0, %eq3A_36 : i32
        %convert_element_type3A_38 = arith.extui %eq3A_37 : i1 to i32
        %cond3A_39 = arith.constant 0 : i32
        %cond3A_40 = arith.cmpi ne, %convert_element_type3A_38, %cond3A_39 : i32
        scf.if %cond3A_40 {
          "tpu.region"() ({
            %run_scoped3A = tpu.sem_alloc : memref<!tpu.dma_semaphore, #tpu.memory_space<semaphore_mem>>
            %dma_start3A = arith.constant 0 : i32
            %dma_start3A_46 = tpu.memref_slice %arg7[%mul3A_35, %dma_start3A] : memref<10000x96xf32, #tpu.memory_space<hbm>> -> memref<80x96xf32, #tpu.memory_space<hbm>>
            %dma_start3A_47 = arith.constant 0 : i32
            %dma_start3A_48 = tpu.memref_slice %arg17[%mul3A_35, %dma_start3A_47] : memref<10000x96xf32, #tpu.memory_space<vmem_shared>> -> memref<80x96xf32, #tpu.memory_space<vmem_shared>>
            tpu.enqueue_dma source(%dma_start3A_48 : memref<80x96xf32, #tpu.memory_space<vmem_shared>>) target(%dma_start3A_46 : memref<80x96xf32, #tpu.memory_space<hbm>>) target_semaphore(%run_scoped3A : memref<!tpu.dma_semaphore, #tpu.memory_space<semaphore_mem>>)
            %dma_wait3A = arith.constant 0 : i32
            %dma_wait3A_49 = tpu.memref_slice %arg7[%mul3A_35, %dma_wait3A] : memref<10000x96xf32, #tpu.memory_space<hbm>> -> memref<80x96xf32, #tpu.memory_space<hbm>>
            %dma_wait3A_50 = arith.constant 0 : i32
            %dma_wait3A_51 = tpu.memref_slice %arg17[%mul3A_35, %dma_wait3A_50] : memref<10000x96xf32, #tpu.memory_space<vmem_shared>> -> memref<80x96xf32, #tpu.memory_space<vmem_shared>>
            tpu.wait_dma2 semaphore(%run_scoped3A : memref<!tpu.dma_semaphore, #tpu.memory_space<semaphore_mem>>) src(%dma_wait3A_51 : memref<80x96xf32, #tpu.memory_space<vmem_shared>>) dst(%dma_wait3A_49 : memref<80x96xf32, #tpu.memory_space<hbm>>)
            tpu.yield
          }) : () -> ()
        } else {
        }
        %eq3A_41 = arith.constant 1 : i32
        %eq3A_42 = arith.cmpi eq, %arg0, %eq3A_41 : i32
        %convert_element_type3A_43 = arith.extui %eq3A_42 : i1 to i32
        %cond3A_44 = arith.constant 0 : i32
        %cond3A_45 = arith.cmpi ne, %convert_element_type3A_43, %cond3A_44 : i32
        scf.if %cond3A_45 {
          "tpu.region"() ({
            %run_scoped3A = tpu.sem_alloc : memref<!tpu.dma_semaphore, #tpu.memory_space<semaphore_mem>>
            %dma_start3A = arith.constant 0 : i32
            %dma_start3A_46 = tpu.memref_slice %arg8[%mul3A_35, %dma_start3A] : memref<10000x96xf32, #tpu.memory_space<hbm>> -> memref<80x96xf32, #tpu.memory_space<hbm>>
            %dma_start3A_47 = arith.constant 0 : i32
            %dma_start3A_48 = tpu.memref_slice %arg17[%mul3A_35, %dma_start3A_47] : memref<10000x96xf32, #tpu.memory_space<vmem_shared>> -> memref<80x96xf32, #tpu.memory_space<vmem_shared>>
            tpu.enqueue_dma source(%dma_start3A_48 : memref<80x96xf32, #tpu.memory_space<vmem_shared>>) target(%dma_start3A_46 : memref<80x96xf32, #tpu.memory_space<hbm>>) target_semaphore(%run_scoped3A : memref<!tpu.dma_semaphore, #tpu.memory_space<semaphore_mem>>)
            %dma_wait3A = arith.constant 0 : i32
            %dma_wait3A_49 = tpu.memref_slice %arg8[%mul3A_35, %dma_wait3A] : memref<10000x96xf32, #tpu.memory_space<hbm>> -> memref<80x96xf32, #tpu.memory_space<hbm>>
            %dma_wait3A_50 = arith.constant 0 : i32
            %dma_wait3A_51 = tpu.memref_slice %arg17[%mul3A_35, %dma_wait3A_50] : memref<10000x96xf32, #tpu.memory_space<vmem_shared>> -> memref<80x96xf32, #tpu.memory_space<vmem_shared>>
            tpu.wait_dma2 semaphore(%run_scoped3A : memref<!tpu.dma_semaphore, #tpu.memory_space<semaphore_mem>>) src(%dma_wait3A_51 : memref<80x96xf32, #tpu.memory_space<vmem_shared>>) dst(%dma_wait3A_49 : memref<80x96xf32, #tpu.memory_space<hbm>>)
            tpu.yield
          }) : () -> ()
        } else {
        }
      } else {
      }
    }
    %scan3A_26 = arith.constant 8 : i32
    return
  }
}

#map = affine_map<(d0, d1) -> (0, 0)>
#map1 = affine_map<(d0, d1) -> (0)>
module attributes {stable_mosaic.version = 14 : i64} {
  func.func @_gather2(%arg0: i32, %arg1: i32, %arg2: memref<10000x64xf32, #tpu.memory_space<hbm>>, %arg3: memref<10000x64xf32, #tpu.memory_space<hbm>>, %arg4: memref<40000xi32, #tpu.memory_space<hbm>>, %arg5: memref<40000xi32, #tpu.memory_space<hbm>>, %arg6: memref<40000x64xf32, #tpu.memory_space<hbm>>, %arg7: memref<40000x64xf32, #tpu.memory_space<hbm>>, %arg8: memref<80xi32, #tpu.memory_space<vmem>>, %arg9: memref<80x64xf32, #tpu.memory_space<vmem>>, %arg10: memref<!tpu.dma_semaphore, #tpu.memory_space<semaphore_mem>>) attributes {dimension_semantics = [#tpu.dimension_semantics<core_parallel>, #tpu.dimension_semantics<subcore_parallel>], iteration_bounds = array<i64: 2, 16>, scalar_prefetch = 0 : i64, scratch_operands = 3 : i64, tpu.core_type = #tpu.core_type<sc_vector_subcore>, window_params = [{transform_indices = #map}, {transform_indices = #map}, {transform_indices = #map1}, {transform_indices = #map1}, {transform_indices = #map}, {transform_indices = #map}]} {
    %mul3A = arith.constant 2 : i32
    %mul3A_0 = arith.muli %arg1, %mul3A : i32
    %add3A = arith.addi %mul3A_0, %arg0 : i32
    %scan3A = arith.constant 0 : i32
    %scan3A_1 = arith.constant 0 : i32
    %scan3A_2 = arith.constant 16 : i32
    %scan3A_3 = arith.addi %scan3A_1, %scan3A_2 : i32
    %scan3A_4 = arith.constant 1 : i32
    scf.for %scan3A_6 = %scan3A_1 to %scan3A_3 step %scan3A_4  : i32 {
      %mul3A_7 = arith.constant 1280 : i32
      %mul3A_8 = arith.muli %add3A, %mul3A_7 : i32
      %mul3A_9 = arith.constant 80 : i32
      %mul3A_10 = arith.muli %scan3A_6, %mul3A_9 : i32
      %add3A_11 = arith.addi %mul3A_8, %mul3A_10 : i32
      %lt3A = arith.constant 40000 : i32
      %lt3A_12 = arith.cmpi slt, %add3A_11, %lt3A : i32
      %convert_element_type3A = arith.extui %lt3A_12 : i1 to i32
      %cond3A = arith.constant 0 : i32
      %cond3A_13 = arith.cmpi ne, %convert_element_type3A, %cond3A : i32
      scf.if %cond3A_13 {
        "tpu.region"() ({
          %run_scoped3A = tpu.sem_alloc : memref<!tpu.dma_semaphore, #tpu.memory_space<semaphore_mem>>
          %dma_start3A_24 = tpu.memref_slice %arg4[%add3A_11] : memref<40000xi32, #tpu.memory_space<hbm>> -> memref<80xi32, #tpu.memory_space<hbm>>
          %dma_start3A_25 = tpu.memref_slice %arg4[%add3A_11] : memref<40000xi32, #tpu.memory_space<hbm>> -> memref<80xi32, #tpu.memory_space<hbm>>
          tpu.enqueue_dma source(%dma_start3A_25 : memref<80xi32, #tpu.memory_space<hbm>>) target(%arg8 : memref<80xi32, #tpu.memory_space<vmem>>) target_semaphore(%run_scoped3A : memref<!tpu.dma_semaphore, #tpu.memory_space<semaphore_mem>>)
          %dma_wait3A_26 = tpu.memref_slice %arg4[%add3A_11] : memref<40000xi32, #tpu.memory_space<hbm>> -> memref<80xi32, #tpu.memory_space<hbm>>
          %dma_wait3A_27 = tpu.memref_slice %arg4[%add3A_11] : memref<40000xi32, #tpu.memory_space<hbm>> -> memref<80xi32, #tpu.memory_space<hbm>>
          tpu.wait_dma2 semaphore(%run_scoped3A : memref<!tpu.dma_semaphore, #tpu.memory_space<semaphore_mem>>) src(%dma_wait3A_27 : memref<80xi32, #tpu.memory_space<hbm>>) dst(%arg8 : memref<80xi32, #tpu.memory_space<vmem>>)
          tpu.yield
        }) : () -> ()
        %dma_start3A = arith.constant 0 : i32
        %dma_start3A_14 = arith.constant 0 : i32
        %dma_start3A_15 = tpu.memref_slice %arg2[%dma_start3A, %dma_start3A_14] : memref<10000x64xf32, #tpu.memory_space<hbm>> -> memref<10000x64xf32, #tpu.memory_space<hbm>>
        tpu.enqueue_indirect_dma source(%dma_start3A_15 : memref<10000x64xf32, #tpu.memory_space<hbm>>) target(%arg9 : memref<80x64xf32, #tpu.memory_space<vmem>>) offsets(%arg8 : memref<80xi32, #tpu.memory_space<vmem>>) semaphore(%arg10 : memref<!tpu.dma_semaphore, #tpu.memory_space<semaphore_mem>>)
        %dma_wait3A = arith.constant 0 : i32
        %dma_wait3A_16 = arith.constant 0 : i32
        %dma_wait3A_17 = tpu.memref_slice %arg2[%dma_wait3A, %dma_wait3A_16] : memref<10000x64xf32, #tpu.memory_space<hbm>> -> memref<10000x64xf32, #tpu.memory_space<hbm>>
        tpu.wait_indirect_dma semaphore(%arg10 : memref<!tpu.dma_semaphore, #tpu.memory_space<semaphore_mem>>) src(%dma_wait3A_17 : memref<10000x64xf32, #tpu.memory_space<hbm>>) dst(%arg9 : memref<80x64xf32, #tpu.memory_space<vmem>>)
        "tpu.region"() ({
          %run_scoped3A = tpu.sem_alloc : memref<!tpu.dma_semaphore, #tpu.memory_space<semaphore_mem>>
          %dma_start3A_24 = arith.constant 0 : i32
          %dma_start3A_25 = tpu.memref_slice %arg6[%add3A_11, %dma_start3A_24] : memref<40000x64xf32, #tpu.memory_space<hbm>> -> memref<80x64xf32, #tpu.memory_space<hbm>>
          %dma_start3A_26 = arith.constant 0 : i32
          %dma_start3A_27 = tpu.memref_slice %arg6[%add3A_11, %dma_start3A_26] : memref<40000x64xf32, #tpu.memory_space<hbm>> -> memref<80x64xf32, #tpu.memory_space<hbm>>
          tpu.enqueue_dma source(%arg9 : memref<80x64xf32, #tpu.memory_space<vmem>>) target(%dma_start3A_27 : memref<80x64xf32, #tpu.memory_space<hbm>>) target_semaphore(%run_scoped3A : memref<!tpu.dma_semaphore, #tpu.memory_space<semaphore_mem>>)
          %dma_wait3A_28 = arith.constant 0 : i32
          %dma_wait3A_29 = tpu.memref_slice %arg6[%add3A_11, %dma_wait3A_28] : memref<40000x64xf32, #tpu.memory_space<hbm>> -> memref<80x64xf32, #tpu.memory_space<hbm>>
          %dma_wait3A_30 = arith.constant 0 : i32
          %dma_wait3A_31 = tpu.memref_slice %arg6[%add3A_11, %dma_wait3A_30] : memref<40000x64xf32, #tpu.memory_space<hbm>> -> memref<80x64xf32, #tpu.memory_space<hbm>>
          tpu.wait_dma2 semaphore(%run_scoped3A : memref<!tpu.dma_semaphore, #tpu.memory_space<semaphore_mem>>) src(%arg9 : memref<80x64xf32, #tpu.memory_space<vmem>>) dst(%dma_wait3A_31 : memref<80x64xf32, #tpu.memory_space<hbm>>)
          tpu.yield
        }) : () -> ()
        "tpu.region"() ({
          %run_scoped3A = tpu.sem_alloc : memref<!tpu.dma_semaphore, #tpu.memory_space<semaphore_mem>>
          %dma_start3A_24 = tpu.memref_slice %arg5[%add3A_11] : memref<40000xi32, #tpu.memory_space<hbm>> -> memref<80xi32, #tpu.memory_space<hbm>>
          %dma_start3A_25 = tpu.memref_slice %arg5[%add3A_11] : memref<40000xi32, #tpu.memory_space<hbm>> -> memref<80xi32, #tpu.memory_space<hbm>>
          tpu.enqueue_dma source(%dma_start3A_25 : memref<80xi32, #tpu.memory_space<hbm>>) target(%arg8 : memref<80xi32, #tpu.memory_space<vmem>>) target_semaphore(%run_scoped3A : memref<!tpu.dma_semaphore, #tpu.memory_space<semaphore_mem>>)
          %dma_wait3A_26 = tpu.memref_slice %arg5[%add3A_11] : memref<40000xi32, #tpu.memory_space<hbm>> -> memref<80xi32, #tpu.memory_space<hbm>>
          %dma_wait3A_27 = tpu.memref_slice %arg5[%add3A_11] : memref<40000xi32, #tpu.memory_space<hbm>> -> memref<80xi32, #tpu.memory_space<hbm>>
          tpu.wait_dma2 semaphore(%run_scoped3A : memref<!tpu.dma_semaphore, #tpu.memory_space<semaphore_mem>>) src(%dma_wait3A_27 : memref<80xi32, #tpu.memory_space<hbm>>) dst(%arg8 : memref<80xi32, #tpu.memory_space<vmem>>)
          tpu.yield
        }) : () -> ()
        %dma_start3A_18 = arith.constant 0 : i32
        %dma_start3A_19 = arith.constant 0 : i32
        %dma_start3A_20 = tpu.memref_slice %arg3[%dma_start3A_18, %dma_start3A_19] : memref<10000x64xf32, #tpu.memory_space<hbm>> -> memref<10000x64xf32, #tpu.memory_space<hbm>>
        tpu.enqueue_indirect_dma source(%dma_start3A_20 : memref<10000x64xf32, #tpu.memory_space<hbm>>) target(%arg9 : memref<80x64xf32, #tpu.memory_space<vmem>>) offsets(%arg8 : memref<80xi32, #tpu.memory_space<vmem>>) semaphore(%arg10 : memref<!tpu.dma_semaphore, #tpu.memory_space<semaphore_mem>>)
        %dma_wait3A_21 = arith.constant 0 : i32
        %dma_wait3A_22 = arith.constant 0 : i32
        %dma_wait3A_23 = tpu.memref_slice %arg3[%dma_wait3A_21, %dma_wait3A_22] : memref<10000x64xf32, #tpu.memory_space<hbm>> -> memref<10000x64xf32, #tpu.memory_space<hbm>>
        tpu.wait_indirect_dma semaphore(%arg10 : memref<!tpu.dma_semaphore, #tpu.memory_space<semaphore_mem>>) src(%dma_wait3A_23 : memref<10000x64xf32, #tpu.memory_space<hbm>>) dst(%arg9 : memref<80x64xf32, #tpu.memory_space<vmem>>)
        "tpu.region"() ({
          %run_scoped3A = tpu.sem_alloc : memref<!tpu.dma_semaphore, #tpu.memory_space<semaphore_mem>>
          %dma_start3A_24 = arith.constant 0 : i32
          %dma_start3A_25 = tpu.memref_slice %arg7[%add3A_11, %dma_start3A_24] : memref<40000x64xf32, #tpu.memory_space<hbm>> -> memref<80x64xf32, #tpu.memory_space<hbm>>
          %dma_start3A_26 = arith.constant 0 : i32
          %dma_start3A_27 = tpu.memref_slice %arg7[%add3A_11, %dma_start3A_26] : memref<40000x64xf32, #tpu.memory_space<hbm>> -> memref<80x64xf32, #tpu.memory_space<hbm>>
          tpu.enqueue_dma source(%arg9 : memref<80x64xf32, #tpu.memory_space<vmem>>) target(%dma_start3A_27 : memref<80x64xf32, #tpu.memory_space<hbm>>) target_semaphore(%run_scoped3A : memref<!tpu.dma_semaphore, #tpu.memory_space<semaphore_mem>>)
          %dma_wait3A_28 = arith.constant 0 : i32
          %dma_wait3A_29 = tpu.memref_slice %arg7[%add3A_11, %dma_wait3A_28] : memref<40000x64xf32, #tpu.memory_space<hbm>> -> memref<80x64xf32, #tpu.memory_space<hbm>>
          %dma_wait3A_30 = arith.constant 0 : i32
          %dma_wait3A_31 = tpu.memref_slice %arg7[%add3A_11, %dma_wait3A_30] : memref<40000x64xf32, #tpu.memory_space<hbm>> -> memref<80x64xf32, #tpu.memory_space<hbm>>
          tpu.wait_dma2 semaphore(%run_scoped3A : memref<!tpu.dma_semaphore, #tpu.memory_space<semaphore_mem>>) src(%arg9 : memref<80x64xf32, #tpu.memory_space<vmem>>) dst(%dma_wait3A_31 : memref<80x64xf32, #tpu.memory_space<hbm>>)
          tpu.yield
        }) : () -> ()
      } else {
      }
    }
    %scan3A_5 = arith.constant 16 : i32
    return
  }
}

module attributes {stable_mosaic.version = 14 : i64} {
  func.func @_dense1_body(%arg0: i32, %arg1: memref<1000x128xf32, #tpu.memory_space<vmem>>, %arg2: memref<1000x128xf32, #tpu.memory_space<vmem>>, %arg3: memref<128x128xf32, #tpu.memory_space<vmem>>, %arg4: memref<1x128xf32, #tpu.memory_space<vmem>>, %arg5: memref<128x128xf32, #tpu.memory_space<vmem>>, %arg6: memref<128x64xf32, #tpu.memory_space<vmem>>, %arg7: memref<128x128xf32, #tpu.memory_space<vmem>>, %arg8: memref<1000x128xf32, #tpu.memory_space<vmem>>, %arg9: memref<1000x96xf32, #tpu.memory_space<vmem>>, %arg10: memref<1000x96xf32, #tpu.memory_space<vmem>>, %arg11: memref<1000x128xf32, #tpu.memory_space<vmem>>) attributes {dimension_semantics = [#tpu.dimension_semantics<arbitrary>], iteration_bounds = array<i64: 10>, scalar_prefetch = 0 : i64, scratch_operands = 0 : i64, tpu.core_type = #tpu.core_type<tc>, window_params = [{transform_indices = @transform_0, window_bounds = array<i64: 1000, 128>}, {transform_indices = @transform_1, window_bounds = array<i64: 1000, 128>}, {pipeline_mode = #tpu.pipeline_mode<synchronous>, transform_indices = @transform_2, window_bounds = array<i64: 128, 128>}, {pipeline_mode = #tpu.pipeline_mode<synchronous>, transform_indices = @transform_3, window_bounds = array<i64: 1, 128>}, {pipeline_mode = #tpu.pipeline_mode<synchronous>, transform_indices = @transform_4, window_bounds = array<i64: 128, 128>}, {pipeline_mode = #tpu.pipeline_mode<synchronous>, transform_indices = @transform_5, window_bounds = array<i64: 128, 64>}, {pipeline_mode = #tpu.pipeline_mode<synchronous>, transform_indices = @transform_6, window_bounds = array<i64: 128, 128>}, {transform_indices = @transform_7, window_bounds = array<i64: 1000, 128>}, {transform_indices = @transform_8, window_bounds = array<i64: 1000, 96>}, {transform_indices = @transform_9, window_bounds = array<i64: 1000, 96>}, {transform_indices = @transform_10, window_bounds = array<i64: 1000, 128>}]} {
    %get3A = arith.constant 0 : index
    %get3A_0 = arith.constant 0 : index
    %get3A_1 = vector.load %arg1[%get3A, %get3A_0] : memref<1000x128xf32, #tpu.memory_space<vmem>>, vector<1000x128xf32>
    %get3A_2 = arith.constant 0 : index
    %get3A_3 = arith.constant 0 : index
    %get3A_4 = vector.load %arg3[%get3A_2, %get3A_3] : memref<128x128xf32, #tpu.memory_space<vmem>>, vector<128x128xf32>
    %dot_general3A = arith.constant dense<0.000000e+00> : vector<1000x128xf32>
    %dot_general3A_5 = tpu.matmul %get3A_1, %get3A_4, %dot_general3A {dimension_numbers = #tpu.dot_dimension_numbers<[1], [0], [0], [1], [0, 0, 1, 1], [], []>, transpose_lhs_hint = false} : vector<1000x128xf32>, vector<128x128xf32>, vector<1000x128xf32> -> vector<1000x128xf32>
    %get3A_6 = arith.constant 0 : index
    %get3A_7 = arith.constant 0 : index
    %get3A_8 = vector.load %arg4[%get3A_6, %get3A_7] : memref<1x128xf32, #tpu.memory_space<vmem>>, vector<1x128xf32>
    %add3A = vector.broadcast %get3A_8 : vector<1x128xf32> to vector<1000x128xf32>
    %add3A_9 = arith.addf %dot_general3A_5, %add3A : vector<1000x128xf32>
    %max3A = arith.constant 0.000000e+00 : f32
    %max3A_10 = vector.broadcast %max3A : f32 to vector<1000x128xf32>
    %max3A_11 = arith.maximumf %add3A_9, %max3A_10 : vector<1000x128xf32>
    %swap3A = arith.constant 0 : index
    %swap3A_12 = arith.constant 0 : index
    %swap3A_13 = vector.load %arg8[%swap3A, %swap3A_12] : memref<1000x128xf32, #tpu.memory_space<vmem>>, vector<1000x128xf32>
    tpu.vector_store %arg8[%swap3A, %swap3A_12], %max3A_11 {strides = array<i32>} : memref<1000x128xf32, #tpu.memory_space<vmem>>, vector<1000x128xf32>,
    %get3A_14 = arith.constant 0 : index
    %get3A_15 = arith.constant 0 : index
    %get3A_16 = vector.load %arg5[%get3A_14, %get3A_15] : memref<128x128xf32, #tpu.memory_space<vmem>>, vector<128x128xf32>
    %dot_general3A_17 = arith.constant dense<0.000000e+00> : vector<1000x128xf32>
    %dot_general3A_18 = tpu.matmul %get3A_1, %get3A_16, %dot_general3A_17 {dimension_numbers = #tpu.dot_dimension_numbers<[1], [0], [0], [1], [0, 0, 1, 1], [], []>, transpose_lhs_hint = false} : vector<1000x128xf32>, vector<128x128xf32>, vector<1000x128xf32> -> vector<1000x128xf32>
    %get3A_19 = arith.constant 0 : index
    %get3A_20 = arith.constant 0 : index
    %get3A_21 = vector.load %arg6[%get3A_19, %get3A_20] : memref<128x64xf32, #tpu.memory_space<vmem>>, vector<128x64xf32>
    %dot_general3A_22 = arith.constant dense<0.000000e+00> : vector<1000x64xf32>
    %dot_general3A_23 = tpu.matmul %max3A_11, %get3A_21, %dot_general3A_22 {dimension_numbers = #tpu.dot_dimension_numbers<[1], [0], [0], [1], [0, 0, 1, 1], [], []>, transpose_lhs_hint = false} : vector<1000x128xf32>, vector<128x64xf32>, vector<1000x64xf32> -> vector<1000x64xf32>
    %slice3A = vector.extract_strided_slice %dot_general3A_18 {offsets = [0, 0], sizes = [1000, 96], strides = [1, 1]} : vector<1000x128xf32> to vector<1000x96xf32>
    %swap3A_24 = arith.constant 0 : index
    %swap3A_25 = arith.constant 0 : index
    %swap3A_26 = vector.load %arg9[%swap3A_24, %swap3A_25] : memref<1000x96xf32, #tpu.memory_space<vmem>>, vector<1000x96xf32>
    tpu.vector_store %arg9[%swap3A_24, %swap3A_25], %slice3A {strides = array<i32>} : memref<1000x96xf32, #tpu.memory_space<vmem>>, vector<1000x96xf32>,
    %slice3A_27 = vector.extract_strided_slice %dot_general3A_18 {offsets = [0, 96], sizes = [1000, 32], strides = [1, 1]} : vector<1000x128xf32> to vector<1000x32xf32>
    %concatenate3A = tpu.concatenate %slice3A_27, %dot_general3A_23 in 1 : vector<1000x32xf32>, vector<1000x64xf32> -> vector<1000x96xf32>
    %swap3A_28 = arith.constant 0 : index
    %swap3A_29 = arith.constant 0 : index
    %swap3A_30 = vector.load %arg10[%swap3A_28, %swap3A_29] : memref<1000x96xf32, #tpu.memory_space<vmem>>, vector<1000x96xf32>
    tpu.vector_store %arg10[%swap3A_28, %swap3A_29], %concatenate3A {strides = array<i32>} : memref<1000x96xf32, #tpu.memory_space<vmem>>, vector<1000x96xf32>,
    %get3A_31 = arith.constant 0 : index
    %get3A_32 = arith.constant 0 : index
    %get3A_33 = vector.load %arg2[%get3A_31, %get3A_32] : memref<1000x128xf32, #tpu.memory_space<vmem>>, vector<1000x128xf32>
    %get3A_34 = arith.constant 0 : index
    %get3A_35 = arith.constant 0 : index
    %get3A_36 = vector.load %arg7[%get3A_34, %get3A_35] : memref<128x128xf32, #tpu.memory_space<vmem>>, vector<128x128xf32>
    %dot_general3A_37 = arith.constant dense<0.000000e+00> : vector<1000x128xf32>
    %dot_general3A_38 = tpu.matmul %get3A_33, %get3A_36, %dot_general3A_37 {dimension_numbers = #tpu.dot_dimension_numbers<[1], [0], [0], [1], [0, 0, 1, 1], [], []>, transpose_lhs_hint = false} : vector<1000x128xf32>, vector<128x128xf32>, vector<1000x128xf32> -> vector<1000x128xf32>
    %swap3A_39 = arith.constant 0 : index
    %swap3A_40 = arith.constant 0 : index
    %swap3A_41 = vector.load %arg11[%swap3A_39, %swap3A_40] : memref<1000x128xf32, #tpu.memory_space<vmem>>, vector<1000x128xf32>
    tpu.vector_store %arg11[%swap3A_39, %swap3A_40], %dot_general3A_38 {strides = array<i32>} : memref<1000x128xf32, #tpu.memory_space<vmem>>, vector<1000x128xf32>,
    return
  }
  func.func @transform_0(%arg0: i32) -> (i32, i32) {
    %c0_i32 = arith.constant 0 : i32
    %c0_i32_0 = arith.constant 0 : i32
    return %arg0, %c0_i32 : i32, i32
  }
  func.func @transform_1(%arg0: i32) -> (i32, i32) {
    %c0_i32 = arith.constant 0 : i32
    %c0_i32_0 = arith.constant 0 : i32
    return %arg0, %c0_i32 : i32, i32
  }
  func.func @transform_2(%arg0: i32) -> (i32, i32) {
    %c0_i32 = arith.constant 0 : i32
    %c0_i32_0 = arith.constant 0 : i32
    %c0_i32_1 = arith.constant 0 : i32
    return %c0_i32, %c0_i32_0 : i32, i32
  }
  func.func @transform_3(%arg0: i32) -> (i32, i32) {
    %c0_i32 = arith.constant 0 : i32
    %c0_i32_0 = arith.constant 0 : i32
    %c0_i32_1 = arith.constant 0 : i32
    return %c0_i32, %c0_i32_0 : i32, i32
  }
  func.func @transform_4(%arg0: i32) -> (i32, i32) {
    %c0_i32 = arith.constant 0 : i32
    %c0_i32_0 = arith.constant 0 : i32
    %c0_i32_1 = arith.constant 0 : i32
    return %c0_i32, %c0_i32_0 : i32, i32
  }
  func.func @transform_5(%arg0: i32) -> (i32, i32) {
    %c0_i32 = arith.constant 0 : i32
    %c0_i32_0 = arith.constant 0 : i32
    %c0_i32_1 = arith.constant 0 : i32
    return %c0_i32, %c0_i32_0 : i32, i32
  }
  func.func @transform_6(%arg0: i32) -> (i32, i32) {
    %c0_i32 = arith.constant 0 : i32
    %c0_i32_0 = arith.constant 0 : i32
    %c0_i32_1 = arith.constant 0 : i32
    return %c0_i32, %c0_i32_0 : i32, i32
  }
  func.func @transform_7(%arg0: i32) -> (i32, i32) {
    %c0_i32 = arith.constant 0 : i32
    %c0_i32_0 = arith.constant 0 : i32
    return %arg0, %c0_i32 : i32, i32
  }
  func.func @transform_8(%arg0: i32) -> (i32, i32) {
    %c0_i32 = arith.constant 0 : i32
    %c0_i32_0 = arith.constant 0 : i32
    return %arg0, %c0_i32 : i32, i32
  }
  func.func @transform_9(%arg0: i32) -> (i32, i32) {
    %c0_i32 = arith.constant 0 : i32
    %c0_i32_0 = arith.constant 0 : i32
    return %arg0, %c0_i32 : i32, i32
  }
  func.func @transform_10(%arg0: i32) -> (i32, i32) {
    %c0_i32 = arith.constant 0 : i32
    %c0_i32_0 = arith.constant 0 : i32
    return %arg0, %c0_i32 : i32, i32
  }
}

module attributes {stable_mosaic.version = 14 : i64} {
  func.func @_wexp_body(%arg0: i32, %arg1: memref<4000x1xf32, #tpu.memory_space<vmem>>, %arg2: memref<4000x16xf32, #tpu.memory_space<vmem>>) attributes {dimension_semantics = [#tpu.dimension_semantics<arbitrary>], iteration_bounds = array<i64: 80>, scalar_prefetch = 0 : i64, scratch_operands = 0 : i64, tpu.core_type = #tpu.core_type<tc>, window_params = [{transform_indices = @transform_0, window_bounds = array<i64: 4000, 1>}, {transform_indices = @transform_1, window_bounds = array<i64: 4000, 16>}]} {
    %get3A = arith.constant 0 : index
    %get3A_0 = arith.constant 0 : index
    %get3A_1 = vector.load %arg1[%get3A, %get3A_0] : memref<4000x1xf32, #tpu.memory_space<vmem>>, vector<4000x1xf32>
    %broadcast_in_dim3A = vector.shape_cast %get3A_1 : vector<4000x1xf32> to vector<4000x1xf32>
    %broadcast_in_dim3A_2 = vector.broadcast %broadcast_in_dim3A : vector<4000x1xf32> to vector<4000x16xf32>
    %swap3A = arith.constant 0 : index
    %swap3A_3 = arith.constant 0 : index
    %swap3A_4 = vector.load %arg2[%swap3A, %swap3A_3] : memref<4000x16xf32, #tpu.memory_space<vmem>>, vector<4000x16xf32>
    tpu.vector_store %arg2[%swap3A, %swap3A_3], %broadcast_in_dim3A_2 {strides = array<i32>} : memref<4000x16xf32, #tpu.memory_space<vmem>>, vector<4000x16xf32>,
    return
  }
  func.func @transform_0(%arg0: i32) -> (i32, i32) {
    %c0_i32 = arith.constant 0 : i32
    %c0_i32_0 = arith.constant 0 : i32
    return %arg0, %c0_i32 : i32, i32
  }
  func.func @transform_1(%arg0: i32) -> (i32, i32) {
    %c0_i32 = arith.constant 0 : i32
    %c0_i32_0 = arith.constant 0 : i32
    return %arg0, %c0_i32 : i32, i32
  }
}

module attributes {stable_mosaic.version = 14 : i64} {
  func.func @_dense2_body(%arg0: i32, %arg1: memref<1000x96xf32, #tpu.memory_space<vmem>>, %arg2: memref<1000x96xf32, #tpu.memory_space<vmem>>, %arg3: memref<1000x128xf32, #tpu.memory_space<vmem>>, %arg4: memref<1000x128xf32, #tpu.memory_space<vmem>>, %arg5: memref<128x64xf32, #tpu.memory_space<vmem>>, %arg6: memref<1x64xf32, #tpu.memory_space<vmem>>, %arg7: memref<128x64xf32, #tpu.memory_space<vmem>>, %arg8: memref<1x64xf32, #tpu.memory_space<vmem>>, %arg9: memref<128x64xf32, #tpu.memory_space<vmem>>, %arg10: memref<1x128xf32, #tpu.memory_space<vmem>>, %arg11: memref<1000x64xf32, #tpu.memory_space<vmem>>, %arg12: memref<1000x64xf32, #tpu.memory_space<vmem>>) attributes {dimension_semantics = [#tpu.dimension_semantics<arbitrary>], iteration_bounds = array<i64: 10>, scalar_prefetch = 0 : i64, scratch_operands = 0 : i64, tpu.core_type = #tpu.core_type<tc>, window_params = [{transform_indices = @transform_0, window_bounds = array<i64: 1000, 96>}, {transform_indices = @transform_1, window_bounds = array<i64: 1000, 96>}, {transform_indices = @transform_2, window_bounds = array<i64: 1000, 128>}, {transform_indices = @transform_3, window_bounds = array<i64: 1000, 128>}, {pipeline_mode = #tpu.pipeline_mode<synchronous>, transform_indices = @transform_4, window_bounds = array<i64: 128, 64>}, {pipeline_mode = #tpu.pipeline_mode<synchronous>, transform_indices = @transform_5, window_bounds = array<i64: 1, 64>}, {pipeline_mode = #tpu.pipeline_mode<synchronous>, transform_indices = @transform_6, window_bounds = array<i64: 128, 64>}, {pipeline_mode = #tpu.pipeline_mode<synchronous>, transform_indices = @transform_7, window_bounds = array<i64: 1, 64>}, {pipeline_mode = #tpu.pipeline_mode<synchronous>, transform_indices = @transform_8, window_bounds = array<i64: 128, 64>}, {pipeline_mode = #tpu.pipeline_mode<synchronous>, transform_indices = @transform_9, window_bounds = array<i64: 1, 128>}, {transform_indices = @transform_10, window_bounds = array<i64: 1000, 64>}, {transform_indices = @transform_11, window_bounds = array<i64: 1000, 64>}]} {
    %get3A = arith.constant 0 : index
    %get3A_0 = arith.constant 0 : index
    %get3A_1 = vector.load %arg1[%get3A, %get3A_0] : memref<1000x96xf32, #tpu.memory_space<vmem>>, vector<1000x96xf32>
    %get3A_2 = arith.constant 0 : index
    %get3A_3 = arith.constant 0 : index
    %get3A_4 = vector.load %arg2[%get3A_2, %get3A_3] : memref<1000x96xf32, #tpu.memory_space<vmem>>, vector<1000x96xf32>
    %concatenate3A = tpu.concatenate %get3A_1, %get3A_4 in 1 : vector<1000x96xf32>, vector<1000x96xf32> -> vector<1000x192xf32>
    %slice3A = vector.extract_strided_slice %concatenate3A {offsets = [0, 0], sizes = [1000, 128], strides = [1, 1]} : vector<1000x192xf32> to vector<1000x128xf32>
    %get3A_5 = arith.constant 0 : index
    %get3A_6 = arith.constant 0 : index
    %get3A_7 = vector.load %arg3[%get3A_5, %get3A_6] : memref<1000x128xf32, #tpu.memory_space<vmem>>, vector<1000x128xf32>
    %add3A = arith.addf %slice3A, %get3A_7 : vector<1000x128xf32>
    %get3A_8 = arith.constant 0 : index
    %get3A_9 = arith.constant 0 : index
    %get3A_10 = vector.load %arg10[%get3A_8, %get3A_9] : memref<1x128xf32, #tpu.memory_space<vmem>>, vector<1x128xf32>
    %add3A_11 = vector.broadcast %get3A_10 : vector<1x128xf32> to vector<1000x128xf32>
    %add3A_12 = arith.addf %add3A, %add3A_11 : vector<1000x128xf32>
    %max3A = arith.constant 0.000000e+00 : f32
    %max3A_13 = vector.broadcast %max3A : f32 to vector<1000x128xf32>
    %max3A_14 = arith.maximumf %add3A_12, %max3A_13 : vector<1000x128xf32>
    %slice3A_15 = vector.extract_strided_slice %concatenate3A {offsets = [0, 128], sizes = [1000, 64], strides = [1, 1]} : vector<1000x192xf32> to vector<1000x64xf32>
    %get3A_16 = arith.constant 0 : index
    %get3A_17 = arith.constant 0 : index
    %get3A_18 = vector.load %arg5[%get3A_16, %get3A_17] : memref<128x64xf32, #tpu.memory_space<vmem>>, vector<128x64xf32>
    %dot_general3A = arith.constant dense<0.000000e+00> : vector<1000x64xf32>
    %dot_general3A_19 = tpu.matmul %max3A_14, %get3A_18, %dot_general3A {dimension_numbers = #tpu.dot_dimension_numbers<[1], [0], [0], [1], [0, 0, 1, 1], [], []>, transpose_lhs_hint = false} : vector<1000x128xf32>, vector<128x64xf32>, vector<1000x64xf32> -> vector<1000x64xf32>
    %add3A_20 = arith.addf %slice3A_15, %dot_general3A_19 : vector<1000x64xf32>
    %get3A_21 = arith.constant 0 : index
    %get3A_22 = arith.constant 0 : index
    %get3A_23 = vector.load %arg6[%get3A_21, %get3A_22] : memref<1x64xf32, #tpu.memory_space<vmem>>, vector<1x64xf32>
    %add3A_24 = vector.broadcast %get3A_23 : vector<1x64xf32> to vector<1000x64xf32>
    %add3A_25 = arith.addf %add3A_20, %add3A_24 : vector<1000x64xf32>
    %get3A_26 = arith.constant 0 : index
    %get3A_27 = arith.constant 0 : index
    %get3A_28 = vector.load %arg4[%get3A_26, %get3A_27] : memref<1000x128xf32, #tpu.memory_space<vmem>>, vector<1000x128xf32>
    %get3A_29 = arith.constant 0 : index
    %get3A_30 = arith.constant 0 : index
    %get3A_31 = vector.load %arg7[%get3A_29, %get3A_30] : memref<128x64xf32, #tpu.memory_space<vmem>>, vector<128x64xf32>
    %dot_general3A_32 = arith.constant dense<0.000000e+00> : vector<1000x64xf32>
    %dot_general3A_33 = tpu.matmul %get3A_28, %get3A_31, %dot_general3A_32 {dimension_numbers = #tpu.dot_dimension_numbers<[1], [0], [0], [1], [0, 0, 1, 1], [], []>, transpose_lhs_hint = false} : vector<1000x128xf32>, vector<128x64xf32>, vector<1000x64xf32> -> vector<1000x64xf32>
    %get3A_34 = arith.constant 0 : index
    %get3A_35 = arith.constant 0 : index
    %get3A_36 = vector.load %arg8[%get3A_34, %get3A_35] : memref<1x64xf32, #tpu.memory_space<vmem>>, vector<1x64xf32>
    %add3A_37 = vector.broadcast %get3A_36 : vector<1x64xf32> to vector<1000x64xf32>
    %add3A_38 = arith.addf %dot_general3A_33, %add3A_37 : vector<1000x64xf32>
    %get3A_39 = arith.constant 0 : index
    %get3A_40 = arith.constant 0 : index
    %get3A_41 = vector.load %arg9[%get3A_39, %get3A_40] : memref<128x64xf32, #tpu.memory_space<vmem>>, vector<128x64xf32>
    %slice3A_42 = vector.extract_strided_slice %get3A_41 {offsets = [0, 0], sizes = [64, 64], strides = [1, 1]} : vector<128x64xf32> to vector<64x64xf32>
    %dot_general3A_43 = arith.constant dense<0.000000e+00> : vector<1000x64xf32>
    %dot_general3A_44 = tpu.matmul %add3A_38, %slice3A_42, %dot_general3A_43 {dimension_numbers = #tpu.dot_dimension_numbers<[1], [0], [0], [1], [0, 0, 1, 1], [], []>, transpose_lhs_hint = false} : vector<1000x64xf32>, vector<64x64xf32>, vector<1000x64xf32> -> vector<1000x64xf32>
    %swap3A = arith.constant 0 : index
    %swap3A_45 = arith.constant 0 : index
    %swap3A_46 = vector.load %arg11[%swap3A, %swap3A_45] : memref<1000x64xf32, #tpu.memory_space<vmem>>, vector<1000x64xf32>
    tpu.vector_store %arg11[%swap3A, %swap3A_45], %dot_general3A_44 {strides = array<i32>} : memref<1000x64xf32, #tpu.memory_space<vmem>>, vector<1000x64xf32>,
    %slice3A_47 = vector.extract_strided_slice %get3A_41 {offsets = [64, 0], sizes = [64, 64], strides = [1, 1]} : vector<128x64xf32> to vector<64x64xf32>
    %dot_general3A_48 = arith.constant dense<0.000000e+00> : vector<1000x64xf32>
    %dot_general3A_49 = tpu.matmul %add3A_25, %slice3A_47, %dot_general3A_48 {dimension_numbers = #tpu.dot_dimension_numbers<[1], [0], [0], [1], [0, 0, 1, 1], [], []>, transpose_lhs_hint = false} : vector<1000x64xf32>, vector<64x64xf32>, vector<1000x64xf32> -> vector<1000x64xf32>
    %swap3A_50 = arith.constant 0 : index
    %swap3A_51 = arith.constant 0 : index
    %swap3A_52 = vector.load %arg12[%swap3A_50, %swap3A_51] : memref<1000x64xf32, #tpu.memory_space<vmem>>, vector<1000x64xf32>
    tpu.vector_store %arg12[%swap3A_50, %swap3A_51], %dot_general3A_49 {strides = array<i32>} : memref<1000x64xf32, #tpu.memory_space<vmem>>, vector<1000x64xf32>,
    return
  }
  func.func @transform_0(%arg0: i32) -> (i32, i32) {
    %c0_i32 = arith.constant 0 : i32
    %c0_i32_0 = arith.constant 0 : i32
    return %arg0, %c0_i32 : i32, i32
  }
  func.func @transform_1(%arg0: i32) -> (i32, i32) {
    %c0_i32 = arith.constant 0 : i32
    %c0_i32_0 = arith.constant 0 : i32
    return %arg0, %c0_i32 : i32, i32
  }
  func.func @transform_2(%arg0: i32) -> (i32, i32) {
    %c0_i32 = arith.constant 0 : i32
    %c0_i32_0 = arith.constant 0 : i32
    return %arg0, %c0_i32 : i32, i32
  }
  func.func @transform_3(%arg0: i32) -> (i32, i32) {
    %c0_i32 = arith.constant 0 : i32
    %c0_i32_0 = arith.constant 0 : i32
    return %arg0, %c0_i32 : i32, i32
  }
  func.func @transform_4(%arg0: i32) -> (i32, i32) {
    %c0_i32 = arith.constant 0 : i32
    %c0_i32_0 = arith.constant 0 : i32
    %c0_i32_1 = arith.constant 0 : i32
    return %c0_i32, %c0_i32_0 : i32, i32
  }
  func.func @transform_5(%arg0: i32) -> (i32, i32) {
    %c0_i32 = arith.constant 0 : i32
    %c0_i32_0 = arith.constant 0 : i32
    %c0_i32_1 = arith.constant 0 : i32
    return %c0_i32, %c0_i32_0 : i32, i32
  }
  func.func @transform_6(%arg0: i32) -> (i32, i32) {
    %c0_i32 = arith.constant 0 : i32
    %c0_i32_0 = arith.constant 0 : i32
    %c0_i32_1 = arith.constant 0 : i32
    return %c0_i32, %c0_i32_0 : i32, i32
  }
  func.func @transform_7(%arg0: i32) -> (i32, i32) {
    %c0_i32 = arith.constant 0 : i32
    %c0_i32_0 = arith.constant 0 : i32
    %c0_i32_1 = arith.constant 0 : i32
    return %c0_i32, %c0_i32_0 : i32, i32
  }
  func.func @transform_8(%arg0: i32) -> (i32, i32) {
    %c0_i32 = arith.constant 0 : i32
    %c0_i32_0 = arith.constant 0 : i32
    %c0_i32_1 = arith.constant 0 : i32
    return %c0_i32, %c0_i32_0 : i32, i32
  }
  func.func @transform_9(%arg0: i32) -> (i32, i32) {
    %c0_i32 = arith.constant 0 : i32
    %c0_i32_0 = arith.constant 0 : i32
    %c0_i32_1 = arith.constant 0 : i32
    return %c0_i32, %c0_i32_0 : i32, i32
  }
  func.func @transform_10(%arg0: i32) -> (i32, i32) {
    %c0_i32 = arith.constant 0 : i32
    %c0_i32_0 = arith.constant 0 : i32
    return %arg0, %c0_i32 : i32, i32
  }
  func.func @transform_11(%arg0: i32) -> (i32, i32) {
    %c0_i32 = arith.constant 0 : i32
    %c0_i32_0 = arith.constant 0 : i32
    return %arg0, %c0_i32 : i32, i32
  }
}

module attributes {stable_mosaic.version = 14 : i64} {
  func.func @_dec_body(%arg0: i32, %arg1: memref<2000x64xf32, #tpu.memory_space<vmem>>, %arg2: memref<2000x64xf32, #tpu.memory_space<vmem>>, %arg3: memref<1x64xf32, #tpu.memory_space<vmem>>, %arg4: memref<1x64xf32, #tpu.memory_space<vmem>>, %arg5: memref<1x1xf32, #tpu.memory_space<vmem>>, %arg6: memref<2000x1xf32, #tpu.memory_space<vmem>>) attributes {dimension_semantics = [#tpu.dimension_semantics<arbitrary>], iteration_bounds = array<i64: 20>, scalar_prefetch = 0 : i64, scratch_operands = 0 : i64, tpu.core_type = #tpu.core_type<tc>, window_params = [{transform_indices = @transform_0, window_bounds = array<i64: 2000, 64>}, {transform_indices = @transform_1, window_bounds = array<i64: 2000, 64>}, {pipeline_mode = #tpu.pipeline_mode<synchronous>, transform_indices = @transform_2, window_bounds = array<i64: 1, 64>}, {pipeline_mode = #tpu.pipeline_mode<synchronous>, transform_indices = @transform_3, window_bounds = array<i64: 1, 64>}, {pipeline_mode = #tpu.pipeline_mode<synchronous>, transform_indices = @transform_4, window_bounds = array<i64: 1, 1>}, {transform_indices = @transform_5, window_bounds = array<i64: 2000, 1>}]} {
    %get3A = arith.constant 0 : index
    %get3A_0 = arith.constant 0 : index
    %get3A_1 = vector.load %arg1[%get3A, %get3A_0] : memref<2000x64xf32, #tpu.memory_space<vmem>>, vector<2000x64xf32>
    %get3A_2 = arith.constant 0 : index
    %get3A_3 = arith.constant 0 : index
    %get3A_4 = vector.load %arg2[%get3A_2, %get3A_3] : memref<2000x64xf32, #tpu.memory_space<vmem>>, vector<2000x64xf32>
    %add3A = arith.addf %get3A_1, %get3A_4 : vector<2000x64xf32>
    %get3A_5 = arith.constant 0 : index
    %get3A_6 = arith.constant 0 : index
    %get3A_7 = vector.load %arg3[%get3A_5, %get3A_6] : memref<1x64xf32, #tpu.memory_space<vmem>>, vector<1x64xf32>
    %add3A_8 = vector.broadcast %get3A_7 : vector<1x64xf32> to vector<2000x64xf32>
    %add3A_9 = arith.addf %add3A, %add3A_8 : vector<2000x64xf32>
    %max3A = arith.constant 0.000000e+00 : f32
    %max3A_10 = vector.broadcast %max3A : f32 to vector<2000x64xf32>
    %max3A_11 = arith.maximumf %add3A_9, %max3A_10 : vector<2000x64xf32>
    %get3A_12 = arith.constant 0 : index
    %get3A_13 = arith.constant 0 : index
    %get3A_14 = vector.load %arg4[%get3A_12, %get3A_13] : memref<1x64xf32, #tpu.memory_space<vmem>>, vector<1x64xf32>
    %mul3A = vector.broadcast %get3A_14 : vector<1x64xf32> to vector<2000x64xf32>
    %mul3A_15 = arith.mulf %max3A_11, %mul3A : vector<2000x64xf32>
    %reduce_sum3A = arith.constant dense<0.000000e+00> : vector<2000xf32>
    %reduce_sum3A_16 = vector.multi_reduction <add>, %mul3A_15, %reduce_sum3A [1] : vector<2000x64xf32> to vector<2000xf32>
    %broadcast_in_dim3A = vector.shape_cast %reduce_sum3A_16 : vector<2000xf32> to vector<2000x1xf32>
    %get3A_17 = arith.constant 0 : index
    %get3A_18 = arith.constant 0 : index
    %get3A_19 = vector.load %arg5[%get3A_17, %get3A_18] : memref<1x1xf32, #tpu.memory_space<vmem>>, vector<1x1xf32>
    %add3A_20 = vector.broadcast %get3A_19 : vector<1x1xf32> to vector<2000x1xf32>
    %add3A_21 = arith.addf %broadcast_in_dim3A, %add3A_20 : vector<2000x1xf32>
    %logistic3A = arith.negf %add3A_21 : vector<2000x1xf32>
    %logistic3A_22 = math.exp %logistic3A : vector<2000x1xf32>
    %logistic3A_23 = arith.constant 1.000000e+00 : f32
    %logistic3A_24 = vector.broadcast %logistic3A_23 : f32 to vector<2000x1xf32>
    %logistic3A_25 = arith.addf %logistic3A_24, %logistic3A_22 : vector<2000x1xf32>
    %logistic3A_26 = arith.divf %logistic3A_24, %logistic3A_25 : vector<2000x1xf32>
    %swap3A = arith.constant 0 : index
    %swap3A_27 = arith.constant 0 : index
    %swap3A_28 = vector.load %arg6[%swap3A, %swap3A_27] : memref<2000x1xf32, #tpu.memory_space<vmem>>, vector<2000x1xf32>
    tpu.vector_store %arg6[%swap3A, %swap3A_27], %logistic3A_26 {strides = array<i32>} : memref<2000x1xf32, #tpu.memory_space<vmem>>, vector<2000x1xf32>,
    return
  }
  func.func @transform_0(%arg0: i32) -> (i32, i32) {
    %c0_i32 = arith.constant 0 : i32
    %c0_i32_0 = arith.constant 0 : i32
    return %arg0, %c0_i32 : i32, i32
  }
  func.func @transform_1(%arg0: i32) -> (i32, i32) {
    %c0_i32 = arith.constant 0 : i32
    %c0_i32_0 = arith.constant 0 : i32
    return %arg0, %c0_i32 : i32, i32
  }
  func.func @transform_2(%arg0: i32) -> (i32, i32) {
    %c0_i32 = arith.constant 0 : i32
    %c0_i32_0 = arith.constant 0 : i32
    %c0_i32_1 = arith.constant 0 : i32
    return %c0_i32, %c0_i32_0 : i32, i32
  }
  func.func @transform_3(%arg0: i32) -> (i32, i32) {
    %c0_i32 = arith.constant 0 : i32
    %c0_i32_0 = arith.constant 0 : i32
    %c0_i32_1 = arith.constant 0 : i32
    return %c0_i32, %c0_i32_0 : i32, i32
  }
  func.func @transform_4(%arg0: i32) -> (i32, i32) {
    %c0_i32 = arith.constant 0 : i32
    %c0_i32_0 = arith.constant 0 : i32
    %c0_i32_1 = arith.constant 0 : i32
    return %c0_i32, %c0_i32_0 : i32, i32
  }
  func.func @transform_5(%arg0: i32) -> (i32, i32) {
    %c0_i32 = arith.constant 0 : i32
    %c0_i32_0 = arith.constant 0 : i32
    return %arg0, %c0_i32 : i32, i32
  }
}

</mosaic_0001>

<sc_bundles>
// kernel: kernel.11.cloned.1.call-start
scs
__scs_entry_jumppad:
0x0: {  	(pc) =	sbr.rel $0x88, $3  }
0x1: {  	(tag) =	ssettag $0x0;
	lr =	simm.s32 $0x1  }
0x2: {  	[smem:$0x3F8E] =	sst lr;
	_ =	strace $0xD0000000  }
0x3: {  	_ = 	snop  }
0x4: {  	_ = 	snop  }
0x5: {  	_ = 	snop  }
0x6: {  	_ = 	snop  }
0x7: {  	_ = 	snop  }
__scs_overlays_trampoline_lowered:
0x8: {  	[smem:$0x3F9D] =	sst s0  }
0x9: {  	[smem:$0x3F9E] =	sst s1  }
0xa: {  	[smem:$0x3F9F] =	sst s2  }
0xb: {  	[smem:$0x3FA0] =	sst s3  }
0xc: {  	[smem:$0x3FA1] =	sst s4  }
0xd: {  	[smem:$0x3FA2] =	sst s5  }
0xe: {  	[smem:$0x3FA3] =	sst s6  }
0xf: {  	[smem:$0x3FA4] =	sst s7  }
0x10: {  	[smem:$0x3FA5] =	sst s8  }
0x11: {  	[smem:$0x3FA6] =	sst s9;
	s0 =	simm.s32 @!p0 $0x0  }
0x12: {  	s1 =	sld [smem:$0x3F8C];
	s0 =	simm.s32 @p0 $0x1  }
0x13: {  	[smem:$0x3FA7] =	sst s0;
	s0 =	simm.s32 @!p1 $0x0  }
0x14: {  	s2 =	sld [smem:$0x3F8B];
	s0 =	simm.s32 @p1 $0x1  }
0x15: {  	[smem:$0x3FA8] =	sst s0;
	s0 =	simm.s32 @!p2 $0x0  }
0x16: {  	s3 =	sld [smem:$0x3FDB];
	s0 =	simm.s32 @p2 $0x1  }
0x17: {  	s4 =	simm.s32 $0x1BF5;
	[smem:$0x3FAA] =	sst s0  }
0x18: {  	s0 =	sld [smem:$0x3F8D];
	_ =	swait.ge [sflag:s4], $0x0  }
0x19: {  	s7 =	sld [smem:$0x3F8E]  }
0x1a: {  	s8 =	sadd.s32 $0xFFFFE003, lr  }
0x1b: {  	s9 =	sadd.s32 $0xFFFFFEF7, lr;
	s5 =	simm.s32 $0xFFFFFFFF;
	p2 =	slt.u32 s8, $0xFFFFF086  }
0x1c: {  	p1 =	slt.u32 s9, $0xF7A;
	s5 =	simm.s32 @!p2 $0x0  }
0x1d: {  	s5 =	simm.s32 @p1 $0x1;
	p0 =	seq.s32 s7, s2  }
0x1e: {  	s7 =	smul.u32 @!p0 $0xF7A, s2;
	p2 =	seq.s32 @!p0 s5, $0x0  }
0x1f: {  	s9 =	smul.u32 $0xF7A, s1;
	s8 =	simm.s32 @!p0 $0x1BF5;
	p2 =	por !p2, p0  }
0x20: {  	[sflag:s8] =	ssyncset.s32 @!p0 $0xFFFFF086;
	s6 =	sadd.s32 @!p0 s3, s7;
	s7 =	simm.s32 @!p0 $0x108  }
0x21: {  	s3 =	sadd.s32 s3, s9;
	s6 =	sadd.s32 @!p0 $0x88, s6;
	s7 =	simm.s32 @p2 $0x1082  }
0x22: {  	[simem:s7], [sflag:s8] =	dma.local @!p0 [hbm:s6], $0xF7A  }
0x23: {  	s9 =	sor.u32 $0xD0000000, s2;
	s6 =	simm.s32 $0x108;
	_ =	swait.ge @!p0 [sflag:s8], $0x0  }
0x24: {  	s3 =	sadd.s32 $0x88, s3;
	s6 =	simm.s32 @!p1 $0x1082;
	[sflag:s4] =	ssyncset.s32 $0xFFFFF086  }
0x25: {  	[simem:s6], [sflag:s4] =	dma.local [hbm:s3], $0xF7A  }
0x26: {  	[smem:$0x3F8E] =	sst s1;
	(tag) =	ssettag s2;
	_ =	strace s9  }
0x27: {  	s1 =	sld [smem:$0x3F9E]  }
0x28: {  	s2 =	sld [smem:$0x3F9F]  }
0x29: {  	s4 =	sld [smem:$0x3FA1]  }
0x2a: {  	p0 =	seq.s32 s5, $0x0;
	s5 =	sld [smem:$0x3FA2]  }
0x2b: {  	s6 =	sld [smem:$0x3FA3]  }
0x2c: {  	s7 =	sld [smem:$0x3FA4]  }
0x2d: {  	s3 =	simm.s32 $0x108;
	s8 =	sld [smem:$0x3FA5]  }
0x2e: {  	s3 =	simm.s32 @!p0 $0x1082;
	s9 =	sld [smem:$0x3FA6]  }
0x2f: {  	lr =	sadd.s32 s0, s3;
	s0 =	sld [smem:$0x3F9D]  }
0x30: {  	s3 =	sld [smem:$0x3FA0]  }
0x31: {  	[smem:$0x3FA9] =	sst s10  }
0x32: {  	s10 =	sld [smem:$0x3FA7];
	_ =	sdelay $0x3  }
0x33: {  	p0 =	seq.s32 s10, $0x1;
	s10 =	sld [smem:$0x3FA9];
	_ =	sdelay $0x3  }
0x34: {  	[smem:$0x3FA9] =	sst s10  }
0x35: {  	s10 =	sld [smem:$0x3FA8];
	_ =	sdelay $0x3  }
0x36: {  	p1 =	seq.s32 s10, $0x1;
	s10 =	sld [smem:$0x3FA9];
	_ =	sdelay $0x3  }
0x37: {  	[smem:$0x3FA9] =	sst s10  }
0x38: {  	s10 =	sld [smem:$0x3FAA]  }
0x39: {  	_ = 	snop;
	(pc) =	sbr.ind lr, $3  }
0x3a: {  	_ = 	snop  }
0x3b: {  	_ = 	snop  }
0x3c: {  	p2 =	seq.s32 s10, $0x1;
	s10 =	sld [smem:$0x3FA9]  }
0x3d: {  	_ =	shalt  }
0x3e: {  	_ =	shalt  }
0x3f: {  	_ =	shalt  }
0x40: {  	_ =	shalt  }
0x41: {  	_ =	shalt  }
0x42: {  	_ =	shalt  }
0x43: {  	_ =	shalt  }
0x44: {  	_ =	shalt  }
0x45: {  	_ =	shalt  }
0x46: {  	_ =	shalt  }
0x47: {  	_ =	shalt  }
0x48: {  	_ =	shalt  }
0x49: {  	_ =	shalt  }
0x4a: {  	_ =	shalt  }
0x4b: {  	_ =	shalt  }
0x4c: {  	_ =	shalt  }
0x4d: {  	_ =	shalt  }
0x4e: {  	_ =	shalt  }
0x4f: {  	_ =	shalt  }
0x50: {  	_ =	shalt  }
0x51: {  	_ =	shalt  }
0x52: {  	_ =	shalt  }
0x53: {  	_ =	shalt  }
0x54: {  	_ =	shalt  }
0x55: {  	_ =	shalt  }
0x56: {  	_ =	shalt  }
0x57: {  	_ =	shalt  }
0x58: {  	_ =	shalt  }
0x59: {  	_ =	shalt  }
0x5a: {  	_ =	shalt  }
0x5b: {  	_ =	shalt  }
0x5c: {  	_ =	shalt  }
0x5d: {  	_ =	shalt  }
0x5e: {  	_ =	shalt  }
0x5f: {  	_ =	shalt  }
0x60: {  	_ =	shalt  }
0x61: {  	_ =	shalt  }
0x62: {  	_ =	shalt  }
0x63: {  	_ =	shalt  }
0x64: {  	_ =	shalt  }
0x65: {  	_ =	shalt  }
0x66: {  	_ =	shalt  }
0x67: {  	_ =	shalt  }
0x68: {  	_ =	shalt  }
0x69: {  	_ =	shalt  }
0x6a: {  	_ =	shalt  }
0x6b: {  	_ =	shalt  }
0x6c: {  	_ =	shalt  }
0x6d: {  	_ =	shalt  }
0x6e: {  	_ =	shalt  }
0x6f: {  	_ =	shalt  }
0x70: {  	_ =	shalt  }
0x71: {  	_ =	shalt  }
0x72: {  	_ =	shalt  }
0x73: {  	_ =	shalt  }
0x74: {  	_ =	shalt  }
0x75: {  	_ =	shalt  }
0x76: {  	_ =	shalt  }
0x77: {  	_ =	shalt  }
0x78: {  	_ =	shalt  }
0x79: {  	_ =	shalt  }
0x7a: {  	_ =	shalt  }
0x7b: {  	_ =	shalt  }
0x7c: {  	_ =	shalt  }
0x7d: {  	_ =	shalt  }
0x7e: {  	_ =	shalt  }
0x7f: {  	_ =	shalt  }
0x80: {  	_ =	shalt  }
0x81: {  	_ =	shalt  }
0x82: {  	_ =	shalt  }
0x83: {  	_ =	shalt  }
0x84: {  	_ =	shalt  }
0x85: {  	_ =	shalt  }
0x86: {  	_ =	shalt  }
0x87: {  	_ =	shalt  }
.Lfunc_end0:
.L_simem_size_0:
called_computation.1_lowered:
.L_overlay_start_0:
0x88: {  	s2 =	sld [smem:$0x3FD9]  }
0x89: {  	s3 =	sld [smem:$0x3FFE];
	_ =	sdelay $0x1  }
0x8a: {  	s1 =	srdreg.scid  }
0x8b: {  	s0 =	sand.u32 $0x1, s1  }
0x8c: {  	s17 =	sshll.u32 s0, $0xA;
	s2 =	sadd.s32 s3, s2  }
0x8d: {  	s2 =	sadd.s32 s2, s17  }
0x8e: {  	[smem:$0x3FB5] =	sst s2  }
0x8f: {  	_ = 	snop  }
0x90: {  	s2 =	sld [smem:$0x3FD0];
	(tm) =	ssettm $0x1  }
0x91: {  	s18 =	sld [smem:$0x3FFB];
	_ =	sdelay $0x3  }
0x92: {  	_ =	strace s18  }
0x93: {  	s3 =	sld [smem:$0x3FFC];
	_ =	sdelay $0x3  }
0x94: {  	_ =	strace s3  }
0x95: {  	s3 =	sld [smem:$0x3FFD];
	_ =	sdelay $0x3  }
0x96: {  	_ =	strace s3  }
0x97: {  	_ =	strace $0x8FFFFFFF  }
0x98: {  	s19 =	sld [smem:$0x3FDB];
	_ =	sdelay $0x1  }
0x99: {  	s4 =	simm.s32 $_scs_section_size  }
0x9a: {  	s5 =	simm.s32 $_size__tile_overlayer_lowered;
	s6 =	simm.s32 $_tile_overlayer_lowered  }
0x9b: {  	s22 =	simm.s32 $0x1BFF;
	s21 =	sshll.u32 s6, $0x1;
	s3 =	sadd.s32 s4, s19  }
0x9c: {  	s7 =	simm.s32 $0x0;
	s20 =	sshll.u32 s5, $0x1;
	s5 =	sadd.s32 s21, s3  }
0x9d: {  	[timem:s7], [sflag:s22] =	dma.local [hbm:s5], s20  }
0x9e: {  	_ =	swait.ge [sflag:s22], s20  }
0x9f: {  	s4 =	ssub.s32 $0x0, s20;
	[sflag:s22] =	ssyncset.done $0x0  }
0xa0: {  	[sflag:s22] =	ssyncadd.s32 s4;
	_ =	sdelay $0x1  }
0xa1: {  	s23 =	simm.s32 $0x1B8B  }
0xa2: {  	_ =	swait.ge [sflag:s23], $0x1  }
0xa3: {  	[sflag:s23] =	ssyncset.done $0x0  }
0xa4: {  	s25 =	simm.s32 $0x1B8E;
	s24 =	sld [smem:$0x3FFE];
	[sflag:s23] =	ssyncadd.s32 $0xFFFFFFFF  }
0xa5: {  	s26 =	simm.s32 $execute0_lowered;
	[smem:$0x3FD2] =	sst s25  }
0xa6: {  	s5 =	sshll.u32 s26, $0x1;
	_ =	strace $0x80000049;
	[dreg:$0x1] =	wrdreg $0xFFFFFFFF  }
0xa7: {  	s28 =	simm.s32 $_size_execute0_lowered;
	s3 =	sadd.s32 s3, s5;
	[dreg:$0x0] =	wrdreg $0x0  }
0xa8: {  	s5 =	sshll.u32 s28, $0x1;
	[dreg:$0x2] =	wrdreg s3  }
0xa9: {  	[dreg:$0x3] =	wrdreg s5  }
0xaa: {  	[dreg:$0x4] =	wrdreg $0xC0  }
0xab: {  	_ =	task [dreg:s7], $0x5FFFF  }
0xac: {  	[dreg:$0x1] =	wrdreg $0xFFFFFFFF  }
0xad: {  	[dreg:$0x0] =	wrdreg $0x60  }
0xae: {  	[dreg:$0x2] =	wrdreg s24  }
0xaf: {  	[dreg:$0x3] =	wrdreg s2  }
0xb0: {  	[dreg:$0x4] =	wrdreg $0x9  }
0xb1: {  	_ =	task.clear_ibuf [dreg:s7], $0x5FFFF;
	_ =	strace $0x90000049  }
0xb2: {  	s29 =	simm.s32 $0x9;
	_ =	strace $0x8000004B  }
0xb3: {  	_ =	swait.ge [sflag:s29], $0x1  }
0xb4: {  	[sflag:s29] =	ssyncadd.s32 $0xFFFFFFFF  }
0xb5: {  	_ =	strace $0x9000004B  }
0xb6: {  	_ =	sfence  }
0xb7: {  	s30 =	sld [smem:$0x0];
	_ =	sdelay $0x2  }
0xb8: {  	s31 =	sshll.u32 s1, $0xD;
	s1 =	sshrl.u32 s1, $0x2  }
0xb9: {  	s3 =	sand.u32 $0x4000, s31;
	s1 =	sadd.s32 s1, s30  }
0xba: {  	s0 =	sor.u32 s3, s0;
	s1 =	sshll.u32 s1, $0x11  }
0xbb: {  	s0 =	sor.u32 s1, s0  }
0xbc: {  	s0 =	sadd.s32 $0x8F2B, s0  }
0xbd: {  	[sflag:s0] =	ssyncadd.remote.s32 $0x1  }
0xbe: {  	_ =	sfence.sel $0xFFFF  }
0xbf: {  	[dreg:$0x0] =	wrdreg $0xFFFFFFFF;
	(pc) =	sbr.abs _section_cstart, $3  }
0xc0: {  	[dreg:$0x1] =	wrdreg $0xFFFFFFFF  }
0xc1: {  	_ =	task.clear_ibuf [dreg:s7], $0x2FFFF;
	_ =	strace $0x9FFFFFFF  }
0xc2: {  	(tm) =	ssettm $0x7FFFFFFF  }
0xc3: {  	_ =	shalt  }
tec
execute0_lowered:
.L_overlay_start_1:
0x0: {  	(tag) =	ssettag $0x1  }
0x1: {  	s6 =	rddreg [dreg:$0x0]  }
0x2: {  	s7 =	rddreg [dreg:$0x1]  }
0x3: {  	s0 =	rddreg [dreg:$0x2];
	s1 =	stileid.u32  }
0x4: {  	s3 =	srdreg.scid;
	s2 =	simm.s32 $0x0;
	s5 =	smul.u32 $0xA00, s1  }
0x5: {  	s8 =	sand.u32 $0x1, s3;
	[smem:$0x7FF] =	sst s2;
	s29 =	smul.u32 $0x5000, s1  }
0x6: {  	s3 =	sadd.s32 $0x15C00, s6;
	s4 =	sadd.s32 $0x2200, s6;
	s9 =	smul.u32 $0x500, s8  }
0x7: {  	_ =	strace $0x8000004A;
	s10 =	ssub.s32 $0x2, s8;
	s8 =	smul.u32 $0x2800, s8  }
0x8: {  	s12 =	sshrl.u32 s10, $0x1;
	s5 =	sadd.s32 s9, s5;
	s9 =	sadd.s32 s29, s6  }
0x9: {  	s30 =	ssub.s32 s10, s12;
	s11 =	sshrl.u32 s5, $0x3;
	s31 =	sadd.s32 s8, s9  }
0xa: {  	s13 =	sadd.s32 s11, s6;
	s6 =	smax.u32 s30, $0x1;
	s7 =	sadd.s32 s11, s7  }
0xb: {  	s9 =	sadd.s32 $0x29600, s31;
	s10 =	sadd.s32 $0x77800, s31;
	s8 =	sadd.s32 $0x175E00, s13  }
.LBB2_1:
0xc: {  	p0 =	sgt.u32 s5, $0x9C3F  }
0xd: {  	s11 =	sadd.s32 @!p0 $0x0, s8;
	s13 =	simm.s32 @!p0 $0x0;
	s12 =	simm.s32 @!p0 $0x3  }
0xe: {  	[tilespmem:s13], [sflag:$0x3] =	stream.linear.gather @!p0 [hbm4b:s11+s13], $0x50, $0x38;
	[tilespmem:$0x1450] =	vst v63  }
0xf: {  	_ =	swait.ge @!p0 [sflag:s12], $0x50;
	p0 =	por p0, p0  }
0x10: {  	[sflag:s12] =	ssyncset.done @!p0 $0x0  }
0x11: {  	s11 =	simm.s32 @!p0 $0x50;
	s15 =	simm.s32 @!p0 $0x1;
	[sflag:s12] =	ssyncadd.s32 @!p0 $0xFFFFFFB0  }
0x12: {  	[tilespmem:s11], [sflag:$0x1] =	stream.indirect.gather @!p0 [hbm4b:s3+s11], $0x40, s13, s11, $0xb8;
	[tilespmem:$0x1450] =	vst v63  }
0x13: {  	_ =	swait.ge @!p0 [sflag:s15], $0x1400  }
0x14: {  	[sflag:s15] =	ssyncset.done @!p0 $0x0  }
0x15: {  	[sflag:s15] =	ssyncadd.s32 @!p0 $0xFFFFEC00  }
0x16: {  	[hbm4b:s10+s13] =	stream.linear.scatter @!p0 [tilespmem:s11], [sflag:$0x3], $0x1400, $0x38;
	[tilespmem:$0x1450] =	vst v63  }
0x17: {  	_ =	swait.ge @!p0 [sflag:s12], $0x1400  }
0x18: {  	[sflag:s12] =	ssyncset.done @!p0 $0x0  }
0x19: {  	s14 =	sadd.s32 @!p0 $0x0, s7;
	[sflag:s12] =	ssyncadd.s32 @!p0 $0xFFFFEC00  }
0x1a: {  	[tilespmem:s13], [sflag:$0x3] =	stream.linear.gather @!p0 [hbm4b:s14+s13], $0x50, $0x38;
	[tilespmem:$0x1450] =	vst v63  }
0x1b: {  	_ =	swait.ge @!p0 [sflag:s12], $0x50  }
0x1c: {  	[sflag:s12] =	ssyncset.done @!p0 $0x0  }
0x1d: {  	[sflag:s12] =	ssyncadd.s32 @!p0 $0xFFFFFFB0  }
0x1e: {  	[tilespmem:s11], [sflag:$0x1] =	stream.indirect.gather @!p0 [hbm4b:s4+s11], $0x40, s13, s11, $0xb8;
	[tilespmem:$0x1450] =	vst v63  }
0x1f: {  	_ =	swait.ge @!p0 [sflag:s15], $0x1400  }
0x20: {  	[sflag:s15] =	ssyncset.done @!p0 $0x0  }
0x21: {  	s16 =	simm.s32 @!p0 $0x2;
	s14 =	simm.s32 $0x14;
	[sflag:s15] =	ssyncadd.s32 @!p0 $0xFFFFEC00  }
0x22: {  	[hbm4b:s9+s13] =	stream.linear.scatter @!p0 [tilespmem:s11], [sflag:$0x2], $0x1400, $0x38;
	[tilespmem:$0x1450] =	vst v63  }
0x23: {  	s12 =	simm.s32 $0xA;
	s15 =	sadd.s32 $0x50, s5;
	s13 =	sadd.s32 $0x280, s10  }
0x24: {  	p2 =	sgt.u32 s15, $0x9C3F;
	s11 =	sadd.s32 $0x280, s9;
	_ =	swait.ge @!p0 [sflag:s16], $0x1400  }
.LBB2_2:
0x25: {  	s17 =	sadd.s32 @!p2 s12, s8  }
0x26: {  	s18 =	simm.s32 @!p2 $0x0;
	[sflag:s16] =	ssyncset.done @!p0 $0x0;
	s19 =	smov.u32 s14  }
0x27: {  	s14 =	sadd.s32 $0xA, s14;
	s20 =	simm.s32 @!p2 $0x3;
	[sflag:s16] =	ssyncadd.s32 @!p0 $0xFFFFEC00  }
0x28: {  	[tilespmem:s18], [sflag:$0x3] =	stream.linear.gather @!p2 [hbm4b:s17+s18], $0x50, $0x38;
	[tilespmem:$0x1450] =	vst v63  }
0x29: {  	p1 =	sne.s32 s14, $0xA0;
	p0 =	por p2, p2;
	_ =	swait.ge @!p2 [sflag:s20], $0x50  }
0x2a: {  	[sflag:s20] =	ssyncset.done @!p0 $0x0  }
0x2b: {  	s17 =	simm.s32 @!p0 $0x50;
	s16 =	simm.s32 @!p0 $0x1;
	[sflag:s20] =	ssyncadd.s32 @!p0 $0xFFFFFFB0  }
0x2c: {  	[tilespmem:s17], [sflag:$0x1] =	stream.indirect.gather @!p0 [hbm4b:s3+s17], $0x40, s18, s17, $0xb8;
	[tilespmem:$0x1450] =	vst v63  }
0x2d: {  	_ =	swait.ge @!p0 [sflag:s16], $0x1400  }
0x2e: {  	[sflag:s16] =	ssyncset.done @!p0 $0x0  }
0x2f: {  	[sflag:s16] =	ssyncadd.s32 @!p0 $0xFFFFEC00  }
0x30: {  	[hbm4b:s13+s18] =	stream.linear.scatter @!p0 [tilespmem:s17], [sflag:$0x3], $0x1400, $0x38;
	[tilespmem:$0x1450] =	vst v63  }
0x31: {  	_ =	swait.ge @!p0 [sflag:s20], $0x1400  }
0x32: {  	[sflag:s20] =	ssyncset.done @!p0 $0x0  }
0x33: {  	s21 =	sadd.s32 @!p0 s12, s7;
	s12 =	smov.u32 s19;
	[sflag:s20] =	ssyncadd.s32 @!p0 $0xFFFFEC00  }
0x34: {  	[tilespmem:s18], [sflag:$0x3] =	stream.linear.gather @!p0 [hbm4b:s21+s18], $0x50, $0x38;
	[tilespmem:$0x1450] =	vst v63  }
0x35: {  	_ =	swait.ge @!p0 [sflag:s20], $0x50  }
0x36: {  	[sflag:s20] =	ssyncset.done @!p0 $0x0  }
0x37: {  	[sflag:s20] =	ssyncadd.s32 @!p0 $0xFFFFFFB0  }
0x38: {  	[tilespmem:s17], [sflag:$0x1] =	stream.indirect.gather @!p0 [hbm4b:s4+s17], $0x40, s18, s17, $0xb8;
	[tilespmem:$0x1450] =	vst v63  }
.Ltmp0:
0x39: {  	_ =	swait.ge @!p0 [sflag:s16], $0x1400;
	(pc) =	sbr.rel @p1 .LBB2_2-.Ltmp0, $4  }
0x3a: {  	s13 =	sadd.s32 $0x280, s13;
	[sflag:s16] =	ssyncset.done @!p0 $0x0  }
0x3b: {  	s15 =	sadd.s32 $0x50, s15;
	[sflag:s16] =	ssyncadd.s32 @!p0 $0xFFFFEC00;
	s16 =	simm.s32 @!p0 $0x2  }
0x3c: {  	[hbm4b:s11+s18] =	stream.linear.scatter @!p0 [tilespmem:s17], [sflag:$0x2], $0x1400, $0x38;
	[tilespmem:$0x1450] =	vst v63  }
0x3d: {  	p2 =	sgt.u32 s15, $0x9C3F;
	s11 =	sadd.s32 $0x280, s11;
	_ =	swait.ge @!p0 [sflag:s16], $0x1400  }
0x3e: {  	s14 =	sadd.s32 @!p2 s12, s8;
	[sflag:s16] =	ssyncset.done @!p0 $0x0  }
0x3f: {  	s15 =	simm.s32 @!p2 $0x0;
	s17 =	simm.s32 @!p2 $0x3;
	[sflag:s16] =	ssyncadd.s32 @!p0 $0xFFFFEC00  }
0x40: {  	[tilespmem:s15], [sflag:$0x3] =	stream.linear.gather @!p2 [hbm4b:s14+s15], $0x50, $0x38;
	[tilespmem:$0x1450] =	vst v63  }
0x41: {  	p0 =	por p2, p2;
	_ =	swait.ge @!p2 [sflag:s17], $0x50  }
0x42: {  	[sflag:s17] =	ssyncset.done @!p0 $0x0  }
0x43: {  	s14 =	simm.s32 @!p0 $0x50;
	s16 =	simm.s32 @!p0 $0x1;
	[sflag:s17] =	ssyncadd.s32 @!p0 $0xFFFFFFB0  }
0x44: {  	[tilespmem:s14], [sflag:$0x1] =	stream.indirect.gather @!p0 [hbm4b:s3+s14], $0x40, s15, s14, $0xb8;
	[tilespmem:$0x1450] =	vst v63  }
0x45: {  	_ =	swait.ge @!p0 [sflag:s16], $0x1400  }
0x46: {  	[sflag:s16] =	ssyncset.done @!p0 $0x0  }
0x47: {  	[sflag:s16] =	ssyncadd.s32 @!p0 $0xFFFFEC00  }
0x48: {  	[hbm4b:s13+s15] =	stream.linear.scatter @!p0 [tilespmem:s14], [sflag:$0x3], $0x1400, $0x38;
	[tilespmem:$0x1450] =	vst v63  }
0x49: {  	_ =	swait.ge @!p0 [sflag:s17], $0x1400  }
0x4a: {  	[sflag:s17] =	ssyncset.done @!p0 $0x0  }
0x4b: {  	s12 =	sadd.s32 @!p0 s12, s7;
	[sflag:s17] =	ssyncadd.s32 @!p0 $0xFFFFEC00  }
0x4c: {  	[tilespmem:s15], [sflag:$0x3] =	stream.linear.gather @!p0 [hbm4b:s12+s15], $0x50, $0x38;
	[tilespmem:$0x1450] =	vst v63  }
0x4d: {  	_ =	swait.ge @!p0 [sflag:s17], $0x50  }
0x4e: {  	[sflag:s17] =	ssyncset.done @!p0 $0x0  }
0x4f: {  	[sflag:s17] =	ssyncadd.s32 @!p0 $0xFFFFFFB0  }
0x50: {  	[tilespmem:s14], [sflag:$0x1] =	stream.indirect.gather @!p0 [hbm4b:s4+s14], $0x40, s15, s14, $0xb8;
	[tilespmem:$0x1450] =	vst v63  }
0x51: {  	s2 =	sadd.s32 $0x1, s2;
	_ =	swait.ge @!p0 [sflag:s16], $0x1400  }
0x52: {  	p1 =	sne.s32 s2, s6;
	[sflag:s16] =	ssyncset.done @!p0 $0x0  }
.Ltmp1:
0x53: {  	s12 =	simm.s32 @!p0 $0x2;
	[sflag:s16] =	ssyncadd.s32 @!p0 $0xFFFFEC00;
	(pc) =	sbr.rel @p1 .LBB2_1-.Ltmp1, $4  }
0x54: {  	[hbm4b:s11+s15] =	stream.linear.scatter @!p0 [tilespmem:s14], [sflag:$0x2], $0x1400, $0x38;
	[tilespmem:$0x1450] =	vst v63  }
0x55: {  	_ =	swait.ge @!p0 [sflag:s12], $0x1400  }
0x56: {  	[sflag:s12] =	ssyncset.done @!p0 $0x0  }
0x57: {  	[sflag:s12] =	ssyncadd.s32 @!p0 $0xFFFFEC00  }
0x58: {  	_ =	sfence.sel $0x180000  }
0x59: {  	[bflag:$0x0] =	sbarrier.arrive $0xFFFF  }
0x5a: {  	p0 =	sne.s32 s1, $0x0;
	_ =	strace $0x9000004A  }
0x5b: {  	s0 =	sadd.s32 @!p0 $0x100000, s0;
	[bflag:$0x2] =	sbarrier.arrive $0xFFFF  }
0x5c: {  	[sflag:s0] =	ssyncadd.tile.s32 @!p0 $0x1;
	_ =	shalt  }
.Lfunc_end2:
_tile_overlayer_lowered:
.L_overlay_start_2:
0x5d: {  	(tag) =	ssettag $0x2  }
0x5e: {  	s0 =	rddreg [dreg:$0x0];
	s2 =	stileid.u32  }
0x5f: {  	s1 =	rddreg [dreg:$0x1];
	p0 =	sne.s32 s2, $0x0  }
0x60: {  	s3 =	rddreg [dreg:$0x2];
	[bflag:$0x3] =	sbarrier.arrive $0xFFFF;
	s2 =	simm.s32 @!p0 $0x1C02  }
0x61: {  	[timem:s3], [sflag:s2] =	dma.local @!p0 [hbm:s0], s1  }
0x62: {  	s0 =	simm.s32 @!p0 $0x2  }
0x63: {  	_ =	swait.ge @!p0 [sflag:s0], s1  }
0x64: {  	s1 =	ssub.s32 @!p0 $0x0, s1;
	[sflag:s0] =	ssyncset.done @!p0 $0x0  }
0x65: {  	[sflag:s0] =	ssyncadd.s32 @!p0 s1  }
0x66: {  	[bflag:$0x3] =	sbarrier.arrive $0xFFFF  }
0x67: {  	_ =	shalt  }

// kernel: kernel.8.cloned.1.call-start
scs
__scs_entry_jumppad:
0x0: {  	(pc) =	sbr.rel $0x88, $3  }
0x1: {  	(tag) =	ssettag $0x0;
	lr =	simm.s32 $0x1  }
0x2: {  	[smem:$0x3F8E] =	sst lr;
	_ =	strace $0xD0000000  }
0x3: {  	_ = 	snop  }
0x4: {  	_ = 	snop  }
0x5: {  	_ = 	snop  }
0x6: {  	_ = 	snop  }
0x7: {  	_ = 	snop  }
__scs_overlays_trampoline_lowered:
0x8: {  	[smem:$0x3F9D] =	sst s0  }
0x9: {  	[smem:$0x3F9E] =	sst s1  }
0xa: {  	[smem:$0x3F9F] =	sst s2  }
0xb: {  	[smem:$0x3FA0] =	sst s3  }
0xc: {  	[smem:$0x3FA1] =	sst s4  }
0xd: {  	[smem:$0x3FA2] =	sst s5  }
0xe: {  	[smem:$0x3FA3] =	sst s6  }
0xf: {  	[smem:$0x3FA4] =	sst s7  }
0x10: {  	[smem:$0x3FA5] =	sst s8  }
0x11: {  	[smem:$0x3FA6] =	sst s9;
	s0 =	simm.s32 @!p0 $0x0  }
0x12: {  	s1 =	sld [smem:$0x3F8C];
	s0 =	simm.s32 @p0 $0x1  }
0x13: {  	[smem:$0x3FA7] =	sst s0;
	s0 =	simm.s32 @!p1 $0x0  }
0x14: {  	s2 =	sld [smem:$0x3F8B];
	s0 =	simm.s32 @p1 $0x1  }
0x15: {  	[smem:$0x3FA8] =	sst s0;
	s0 =	simm.s32 @!p2 $0x0  }
0x16: {  	s3 =	sld [smem:$0x3FDB];
	s0 =	simm.s32 @p2 $0x1  }
0x17: {  	s4 =	simm.s32 $0x1BF5;
	[smem:$0x3FAA] =	sst s0  }
0x18: {  	s0 =	sld [smem:$0x3F8D];
	_ =	swait.ge [sflag:s4], $0x0  }
0x19: {  	s7 =	sld [smem:$0x3F8E]  }
0x1a: {  	s8 =	sadd.s32 $0xFFFFE003, lr  }
0x1b: {  	s9 =	sadd.s32 $0xFFFFFEF7, lr;
	s5 =	simm.s32 $0xFFFFFFFF;
	p2 =	slt.u32 s8, $0xFFFFF086  }
0x1c: {  	p1 =	slt.u32 s9, $0xF7A;
	s5 =	simm.s32 @!p2 $0x0  }
0x1d: {  	s5 =	simm.s32 @p1 $0x1;
	p0 =	seq.s32 s7, s2  }
0x1e: {  	s7 =	smul.u32 @!p0 $0xF7A, s2;
	p2 =	seq.s32 @!p0 s5, $0x0  }
0x1f: {  	s9 =	smul.u32 $0xF7A, s1;
	s8 =	simm.s32 @!p0 $0x1BF5;
	p2 =	por !p2, p0  }
0x20: {  	[sflag:s8] =	ssyncset.s32 @!p0 $0xFFFFF086;
	s6 =	sadd.s32 @!p0 s3, s7;
	s7 =	simm.s32 @!p0 $0x108  }
0x21: {  	s3 =	sadd.s32 s3, s9;
	s6 =	sadd.s32 @!p0 $0x88, s6;
	s7 =	simm.s32 @p2 $0x1082  }
0x22: {  	[simem:s7], [sflag:s8] =	dma.local @!p0 [hbm:s6], $0xF7A  }
0x23: {  	s9 =	sor.u32 $0xD0000000, s2;
	s6 =	simm.s32 $0x108;
	_ =	swait.ge @!p0 [sflag:s8], $0x0  }
0x24: {  	s3 =	sadd.s32 $0x88, s3;
	s6 =	simm.s32 @!p1 $0x1082;
	[sflag:s4] =	ssyncset.s32 $0xFFFFF086  }
0x25: {  	[simem:s6], [sflag:s4] =	dma.local [hbm:s3], $0xF7A  }
0x26: {  	[smem:$0x3F8E] =	sst s1;
	(tag) =	ssettag s2;
	_ =	strace s9  }
0x27: {  	s1 =	sld [smem:$0x3F9E]  }
0x28: {  	s2 =	sld [smem:$0x3F9F]  }
0x29: {  	s4 =	sld [smem:$0x3FA1]  }
0x2a: {  	p0 =	seq.s32 s5, $0x0;
	s5 =	sld [smem:$0x3FA2]  }
0x2b: {  	s6 =	sld [smem:$0x3FA3]  }
0x2c: {  	s7 =	sld [smem:$0x3FA4]  }
0x2d: {  	s3 =	simm.s32 $0x108;
	s8 =	sld [smem:$0x3FA5]  }
0x2e: {  	s3 =	simm.s32 @!p0 $0x1082;
	s9 =	sld [smem:$0x3FA6]  }
0x2f: {  	lr =	sadd.s32 s0, s3;
	s0 =	sld [smem:$0x3F9D]  }
0x30: {  	s3 =	sld [smem:$0x3FA0]  }
0x31: {  	[smem:$0x3FA9] =	sst s10  }
0x32: {  	s10 =	sld [smem:$0x3FA7];
	_ =	sdelay $0x3  }
0x33: {  	p0 =	seq.s32 s10, $0x1;
	s10 =	sld [smem:$0x3FA9];
	_ =	sdelay $0x3  }
0x34: {  	[smem:$0x3FA9] =	sst s10  }
0x35: {  	s10 =	sld [smem:$0x3FA8];
	_ =	sdelay $0x3  }
0x36: {  	p1 =	seq.s32 s10, $0x1;
	s10 =	sld [smem:$0x3FA9];
	_ =	sdelay $0x3  }
0x37: {  	[smem:$0x3FA9] =	sst s10  }
0x38: {  	s10 =	sld [smem:$0x3FAA]  }
0x39: {  	_ = 	snop;
	(pc) =	sbr.ind lr, $3  }
0x3a: {  	_ = 	snop  }
0x3b: {  	_ = 	snop  }
0x3c: {  	p2 =	seq.s32 s10, $0x1;
	s10 =	sld [smem:$0x3FA9]  }
0x3d: {  	_ =	shalt  }
0x3e: {  	_ =	shalt  }
0x3f: {  	_ =	shalt  }
0x40: {  	_ =	shalt  }
0x41: {  	_ =	shalt  }
0x42: {  	_ =	shalt  }
0x43: {  	_ =	shalt  }
0x44: {  	_ =	shalt  }
0x45: {  	_ =	shalt  }
0x46: {  	_ =	shalt  }
0x47: {  	_ =	shalt  }
0x48: {  	_ =	shalt  }
0x49: {  	_ =	shalt  }
0x4a: {  	_ =	shalt  }
0x4b: {  	_ =	shalt  }
0x4c: {  	_ =	shalt  }
0x4d: {  	_ =	shalt  }
0x4e: {  	_ =	shalt  }
0x4f: {  	_ =	shalt  }
0x50: {  	_ =	shalt  }
0x51: {  	_ =	shalt  }
0x52: {  	_ =	shalt  }
0x53: {  	_ =	shalt  }
0x54: {  	_ =	shalt  }
0x55: {  	_ =	shalt  }
0x56: {  	_ =	shalt  }
0x57: {  	_ =	shalt  }
0x58: {  	_ =	shalt  }
0x59: {  	_ =	shalt  }
0x5a: {  	_ =	shalt  }
0x5b: {  	_ =	shalt  }
0x5c: {  	_ =	shalt  }
0x5d: {  	_ =	shalt  }
0x5e: {  	_ =	shalt  }
0x5f: {  	_ =	shalt  }
0x60: {  	_ =	shalt  }
0x61: {  	_ =	shalt  }
0x62: {  	_ =	shalt  }
0x63: {  	_ =	shalt  }
0x64: {  	_ =	shalt  }
0x65: {  	_ =	shalt  }
0x66: {  	_ =	shalt  }
0x67: {  	_ =	shalt  }
0x68: {  	_ =	shalt  }
0x69: {  	_ =	shalt  }
0x6a: {  	_ =	shalt  }
0x6b: {  	_ =	shalt  }
0x6c: {  	_ =	shalt  }
0x6d: {  	_ =	shalt  }
0x6e: {  	_ =	shalt  }
0x6f: {  	_ =	shalt  }
0x70: {  	_ =	shalt  }
0x71: {  	_ =	shalt  }
0x72: {  	_ =	shalt  }
0x73: {  	_ =	shalt  }
0x74: {  	_ =	shalt  }
0x75: {  	_ =	shalt  }
0x76: {  	_ =	shalt  }
0x77: {  	_ =	shalt  }
0x78: {  	_ =	shalt  }
0x79: {  	_ =	shalt  }
0x7a: {  	_ =	shalt  }
0x7b: {  	_ =	shalt  }
0x7c: {  	_ =	shalt  }
0x7d: {  	_ =	shalt  }
0x7e: {  	_ =	shalt  }
0x7f: {  	_ =	shalt  }
0x80: {  	_ =	shalt  }
0x81: {  	_ =	shalt  }
0x82: {  	_ =	shalt  }
0x83: {  	_ =	shalt  }
0x84: {  	_ =	shalt  }
0x85: {  	_ =	shalt  }
0x86: {  	_ =	shalt  }
0x87: {  	_ =	shalt  }
.Lfunc_end0:
.L_simem_size_0:
called_computation_lowered:
.L_overlay_start_0:
0x88: {  	s2 =	sld [smem:$0x3FD9]  }
0x89: {  	s3 =	sld [smem:$0x3FFE];
	_ =	sdelay $0x1  }
0x8a: {  	s1 =	srdreg.scid  }
0x8b: {  	s0 =	sand.u32 $0x1, s1  }
0x8c: {  	s16 =	sshll.u32 s0, $0xA;
	s2 =	sadd.s32 s3, s2  }
0x8d: {  	s2 =	sadd.s32 s2, s16  }
0x8e: {  	[smem:$0x3FB5] =	sst s2  }
0x8f: {  	_ = 	snop  }
0x90: {  	(tm) =	ssettm $0x1  }
0x91: {  	s17 =	sld [smem:$0x3FFB];
	_ =	sdelay $0x3  }
0x92: {  	_ =	strace s17  }
0x93: {  	s2 =	sld [smem:$0x3FFC];
	_ =	sdelay $0x3  }
0x94: {  	_ =	strace s2  }
0x95: {  	s2 =	sld [smem:$0x3FFD];
	_ =	sdelay $0x3  }
0x96: {  	_ =	strace s2  }
0x97: {  	_ =	strace $0x8FFFFFFF  }
0x98: {  	s18 =	sld [smem:$0x3FDB];
	_ =	sdelay $0x1  }
0x99: {  	s19 =	simm.s32 $_scs_section_size  }
0x9a: {  	s4 =	simm.s32 $_size__tile_overlayer_lowered;
	s5 =	simm.s32 $_tile_overlayer_lowered  }
0x9b: {  	s22 =	simm.s32 $0x1BFF;
	s21 =	sshll.u32 s5, $0x1;
	s2 =	sadd.s32 s19, s18  }
0x9c: {  	s6 =	simm.s32 $0x0;
	s20 =	sshll.u32 s4, $0x1;
	s4 =	sadd.s32 s21, s2  }
0x9d: {  	[timem:s6], [sflag:s22] =	dma.local [hbm:s4], s20  }
0x9e: {  	_ =	swait.ge [sflag:s22], s20  }
0x9f: {  	s3 =	ssub.s32 $0x0, s20;
	[sflag:s22] =	ssyncset.done $0x0  }
0xa0: {  	[sflag:s22] =	ssyncadd.s32 s3;
	_ =	sdelay $0x1  }
0xa1: {  	s23 =	simm.s32 $0x1B8B  }
0xa2: {  	_ =	swait.ge [sflag:s23], $0x1  }
0xa3: {  	[sflag:s23] =	ssyncset.done $0x0  }
0xa4: {  	s25 =	simm.s32 $0x1B8E;
	s24 =	sld [smem:$0x3FFE];
	[sflag:s23] =	ssyncadd.s32 $0xFFFFFFFF  }
0xa5: {  	s26 =	simm.s32 $execute0_lowered;
	[smem:$0x3FD2] =	sst s25  }
0xa6: {  	s4 =	sshll.u32 s26, $0x1;
	_ =	strace $0x80000046;
	[dreg:$0x1] =	wrdreg $0xFFFFFFFF  }
0xa7: {  	s28 =	simm.s32 $_size_execute0_lowered;
	s2 =	sadd.s32 s2, s4;
	[dreg:$0x0] =	wrdreg $0x0  }
0xa8: {  	s4 =	sshll.u32 s28, $0x1;
	[dreg:$0x2] =	wrdreg s2  }
0xa9: {  	[dreg:$0x3] =	wrdreg s4  }
0xaa: {  	[dreg:$0x4] =	wrdreg $0xC0  }
0xab: {  	_ =	task [dreg:s6], $0x5FFFF  }
0xac: {  	[dreg:$0x1] =	wrdreg $0xFFFFFFFF  }
0xad: {  	[dreg:$0x0] =	wrdreg $0x60  }
0xae: {  	[dreg:$0x2] =	wrdreg s24  }
0xaf: {  	[dreg:$0x3] =	wrdreg $0x47400  }
0xb0: {  	[dreg:$0x4] =	wrdreg $0x9  }
0xb1: {  	_ =	task.clear_ibuf [dreg:s6], $0x5FFFF;
	_ =	strace $0x90000046  }
0xb2: {  	s29 =	simm.s32 $0x9;
	_ =	strace $0x80000048  }
0xb3: {  	_ =	swait.ge [sflag:s29], $0x1  }
0xb4: {  	[sflag:s29] =	ssyncadd.s32 $0xFFFFFFFF  }
0xb5: {  	_ =	strace $0x90000048  }
0xb6: {  	_ =	sfence  }
0xb7: {  	s30 =	sld [smem:$0x0];
	_ =	sdelay $0x2  }
0xb8: {  	s31 =	sshll.u32 s1, $0xD;
	s1 =	sshrl.u32 s1, $0x2  }
0xb9: {  	s3 =	sand.u32 $0x4000, s31;
	s1 =	sadd.s32 s1, s30  }
0xba: {  	s0 =	sor.u32 s3, s0;
	s1 =	sshll.u32 s1, $0x11  }
0xbb: {  	s0 =	sor.u32 s1, s0  }
0xbc: {  	s0 =	sadd.s32 $0x8F2B, s0  }
0xbd: {  	[sflag:s0] =	ssyncadd.remote.s32 $0x1  }
0xbe: {  	_ =	sfence.sel $0xFFFF  }
0xbf: {  	[dreg:$0x0] =	wrdreg $0xFFFFFFFF;
	(pc) =	sbr.abs _section_cstart, $3  }
0xc0: {  	[dreg:$0x1] =	wrdreg $0xFFFFFFFF  }
0xc1: {  	_ =	task.clear_ibuf [dreg:s6], $0x2FFFF;
	_ =	strace $0x9FFFFFFF  }
0xc2: {  	(tm) =	ssettm $0x7FFFFFFF  }
0xc3: {  	_ =	shalt  }
tec
execute0_lowered:
.L_overlay_start_1:
0x0: {  	(tag) =	ssettag $0x1  }
0x1: {  	s6 =	rddreg [dreg:$0x0]  }
0x2: {  	s0 =	rddreg [dreg:$0x1];
	s1 =	simm.s32 $0x0  }
0x3: {  	s5 =	srdreg.scid;
	s2 =	stileid.u32;
	s28 =	simm.s32 $0xA0  }
0x4: {  	s29 =	simm.s32 $0x140;
	s30 =	simm.s32 $0x50;
	s31 =	simm.s32 $0xF0  }
0x5: {  	[smem:$0x7FF] =	sst s1;
	s3 =	sadd.s32 $0x6DC00, s6;
	s4 =	sadd.s32 $0x50600, s6  }
0x6: {  	s7 =	sadd.s32 $0x95000, s6;
	s8 =	sadd.s32 $0x8B200, s6;
	s10 =	smul.u32 $0x4E20, s2  }
0x7: {  	s9 =	sand.u32 $0x1, s5;
	s26 =	sadd.s32 $0x158800, s6;
	s15 =	smul.u32 $0x9C40, s2  }
0x8: {  	s11 =	sadd.s32 $0x9EE00, s6;
	s6 =	sadd.s32 $0x13B200, s6;
	s20 =	smul.u32 $0x7800, s2  }
0x9: {  	s25 =	smul.u32 $0x9C4, s2;
	_ =	strace $0x80000047;
	[dreg:$0xf] =	wrdreg s26  }
0xa: {  	s12 =	ssub.s32 $0x2, s9;
	[dreg:$0x10] =	wrdreg s6;
	p1 =	sne.s32 s9, $0x0  }
0xb: {  	s13 =	sshrl.u32 s12, $0x1;
	s14 =	sshrl.u32 s10, $0x3;
	s19 =	sadd.s32 s11, s15  }
0xc: {  	s10 =	sadd.s32 $0x50, s10;
	s15 =	sor.u32 $0x70, s2;
	s12 =	ssub.s32 s12, s13  }
0xd: {  	s16 =	sadd.s32 s7, s14;
	s17 =	sadd.s32 s8, s14;
	[dreg:$0x5] =	wrdreg s19  }
0xe: {  	s18 =	sshrl.u32 s10, $0x3;
	s21 =	smul.u32 $0x7800, s15;
	[dreg:$0x3] =	wrdreg s16  }
0xf: {  	s10 =	sshll.u32 s10, $0x1;
	[dreg:$0x4] =	wrdreg s17;
	s16 =	sadd.s32 s7, s18  }
0x10: {  	s14 =	sshrl.u32 s20, $0x2;
	s13 =	sadd.s32 s8, s18;
	[dreg:$0x6] =	wrdreg s16  }
0x11: {  	p0 =	sgt.u32 s15, $0x7C;
	s10 =	sadd.s32 s11, s10;
	[dreg:$0x7] =	wrdreg s13  }
0x12: {  	s22 =	smax.u32 s12, $0x1;
	s14 =	sadd.s32 s14, s0;
	[dreg:$0x8] =	wrdreg s10  }
0x13: {  	s16 =	smul.u32 $0x1E00, s2;
	[dreg:$0x9] =	wrdreg s22;
	s23 =	sshrl.u32 s21, $0x2  }
0x14: {  	s17 =	sadd.s32 s25, s8;
	[dreg:$0xa] =	wrdreg s14;
	s26 =	sadd.s32 s23, s0  }
0x15: {  	s18 =	sadd.s32 s25, s7;
	[dreg:$0xb] =	wrdreg s26;
	s25 =	sshrl.u32 s16, $0x3  }
0x16: {  	s24 =	sadd.s32 $0x1E000, s16;
	s26 =	sadd.s32 s16, s0;
	[dreg:$0x15] =	wrdreg s25  }
0x17: {  	s6 =	sadd.s32 $0x3C000, s16;
	s5 =	sshrl.u32 s24, $0x3;
	[dreg:$0x16] =	wrdreg s26  }
0x18: {  	p2 =	sne.s32 @!p0 s9, $0x0;
	s7 =	sshrl.u32 s6, $0x3;
	[dreg:$0xc] =	wrdreg s5  }
0x19: {  	s11 =	sadd.s32 $0x5A000, s16;
	s8 =	sadd.s32 s6, s0;
	[dreg:$0xd] =	wrdreg s7  }
0x1a: {  	s13 =	sadd.s32 $0x78000, s16;
	s12 =	sshrl.u32 s11, $0x3;
	[dreg:$0xe] =	wrdreg s8  }
0x1b: {  	p2 =	por !p2, p0;
	s20 =	sshrl.u32 s13, $0x3;
	[dreg:$0x11] =	wrdreg s12  }
0x1c: {  	s22 =	sadd.s32 $0x96000, s16;
	s21 =	sadd.s32 s13, s0;
	[dreg:$0x12] =	wrdreg s20  }
0x1d: {  	s10 =	sadd.s32 s24, s0;
	s23 =	sshrl.u32 s22, $0x3;
	[dreg:$0x13] =	wrdreg s21  }
0x1e: {  	s24 =	smul.u32 $0x1E00, s15;
	s25 =	sadd.s32 $0xB4000, s14;
	[dreg:$0x14] =	wrdreg s23  }
0x1f: {  	s26 =	sadd.s32 $0x1E0, s19;
	s7 =	sadd.s32 s11, s0;
	[smem:$0x7FC] =	sst s25  }
0x20: {  	s8 =	sadd.s32 s22, s0;
	s12 =	sshrl.u32 s10, $0x3;
	[smem:$0x7FD] =	sst s26  }
0x21: {  	s5 =	sadd.s32 $0xB4000, s16;
	s20 =	sadd.s32 $0x1E000, s14;
	[dreg:$0x19] =	wrdreg s12  }
0x22: {  	s21 =	sadd.s32 $0x3C000, s14;
	s22 =	sadd.s32 $0x5A000, s14;
	[dreg:$0x1e] =	wrdreg s20  }
0x23: {  	s23 =	sadd.s32 $0x78000, s14;
	s10 =	simm.s32 $0x2940;
	[dreg:$0x1f] =	wrdreg s21  }
0x24: {  	s26 =	stileid.u32;
	s6 =	sshrl.u32 s5, $0x3;
	[smem:$0x7F9] =	sst s22  }
0x25: {  	s11 =	sadd.s32 s5, s0;
	s0 =	sadd.s32 s24, s0;
	[smem:$0x7FA] =	sst s23  }
0x26: {  	s9 =	sshrl.u32 s24, $0x3;
	s13 =	sshrl.u32 s7, $0x3;
	[dreg:$0x17] =	wrdreg s6  }
0x27: {  	s15 =	sshrl.u32 s8, $0x3;
	s24 =	sadd.s32 $0x96000, s14;
	[dreg:$0x18] =	wrdreg s9  }
.Ltmp0:
0x28: {  	s21 =	simm.s32 $0xB40;
	[dreg:$0x1a] =	wrdreg s13;
	(pc) =	sbr.rel .LBB2_1-.Ltmp0, $4  }
0x29: {  	s7 =	simm.s32 $0x1;
	s8 =	simm.s32 $0x2;
	[dreg:$0x1b] =	wrdreg s15  }
0x2a: {  	s12 =	simm.s32 $0x4;
	s16 =	sshrl.u32 s11, $0x3;
	[smem:$0x7FB] =	sst s24  }
0x2b: {  	s0 =	sshrl.u32 @!p0 s0, $0x3;
	s11 =	simm.s32 $0x3;
	[dreg:$0x1c] =	wrdreg s16  }
0x2c: {  	v0 =	vimm.f32 $0.0e+00;
	s24 =	simm.s32 $0x0;
	[dreg:$0x1d] =	wrdreg s0;
	s0 =	simm.s32 $0x640  }
.LBB2_9:
0x2d: {  	[tilespmem:s0], [sflag:$0x2] =	stream.linear.gather [hbm4b:s16+s1], $0x500, $0x38;
	[tilespmem:$0x131A0] =	vst v63  }
0x2e: {  	s9 =	smov.u32 s4  }
.LBB2_10:
0x2f: {  	_ =	swait.ge [sflag:s8], $0x50  }
0x30: {  	[sflag:s8] =	ssyncset.done $0x0  }
0x31: {  	[sflag:s8] =	ssyncadd.s32 $0xFFFFFFB0  }
0x32: {  	_ =	swait.ge [sflag:s8], $0x50  }
0x33: {  	[sflag:s8] =	ssyncset.done $0x0  }
0x34: {  	[sflag:s8] =	ssyncadd.s32 $0xFFFFFFB0  }
0x35: {  	_ =	swait.ge [sflag:s8], $0x500  }
0x36: {  	[sflag:s8] =	ssyncset.done $0x0  }
0x37: {  	[sflag:s8] =	ssyncadd.s32 $0xFFFFFB00  }
0x38: {  	[tilespmem:s10], [sflag:$0x4] =	stream.indirect.gather [hbm4b:s9+s30], $0x60, s30, s30, $0xb8;
	[tilespmem:$0x131A0] =	vst v63  }
0x39: {  	_ =	swait.ge [sflag:s11], $0x1E00  }
0x3a: {  	[sflag:s11] =	ssyncset.done $0x0  }
0x3b: {  	[sflag:s11] =	ssyncadd.s32 $0xFFFFE200  }
0x3c: {  	_ =	swait.ge [sflag:s12], $0x1E00  }
0x3d: {  	[sflag:s12] =	ssyncset.done $0x0  }
0x3e: {  	[sflag:s12] =	ssyncadd.s32 $0xFFFFE200  }
0x3f: {  	[bflag:$0x0] =	sbarrier.arrive $0xFFFF  }
0x40: {  	s13 =	rddreg [dreg:$0x10]  }
0x41: {  	s5 =	rddreg [dreg:$0x15]  }
0x42: {  	s2 =	sshll.u32 @p1 s26, $0x6;
	s14 =	rddreg [dreg:$0x16]  }
0x43: {  	s2 =	sor.u32 @p1 $0x1C05, s2;
	s9 =	sadd.s32 @p1 s13, s5;
	s15 =	sshrl.u32 @p1 s14, $0x3  }
0x44: {  	[hbm:s9], [sflag:s2] =	dma.local @p1 [spmem:s15], $0x3C0  }
0x45: {  	s9 =	simm.s32 @p1 $0x5  }
0x46: {  	s19 =	sshrl.u32 @!p1 s14, $0x3;
	_ =	swait.ge @p1 [sflag:s9], $0x3C0  }
0x47: {  	s15 =	sshll.u32 @!p1 s26, $0x6;
	[sflag:s9] =	ssyncset.done @p1 $0x0;
	s6 =	rddreg [dreg:$0xf]  }
0x48: {  	s15 =	sor.u32 @!p1 $0x1C06, s15;
	[sflag:s9] =	ssyncadd.s32 @p1 $0xFFFFFC40;
	s16 =	sadd.s32 @!p1 s6, s5  }
0x49: {  	[hbm:s16], [sflag:s15] =	dma.local @!p1 [spmem:s19], $0x3C0  }
0x4a: {  	s22 =	sshll.u32 s26, $0x6;
	s16 =	simm.s32 @!p1 $0x6  }
0x4b: {  	s20 =	smov.u32 s6;
	s19 =	simm.s32 @!p1 $0x6;
	_ =	swait.ge @!p1 [sflag:s16], $0x3C0  }
0x4c: {  	s20 =	smov.u32 @p1 s13;
	s19 =	simm.s32 @p1 $0x5;
	s23 =	rddreg [dreg:$0xc]  }
0x4d: {  	[sflag:s16] =	ssyncset.done @!p1 $0x0;
	s22 =	sadd.s32 s19, s22;
	s14 =	rddreg [dreg:$0x19]  }
0x4e: {  	[sflag:s16] =	ssyncadd.s32 @!p1 $0xFFFFFC40;
	s23 =	sadd.s32 s20, s23;
	s22 =	sadd.s32 $0x1C00, s22  }
0x4f: {  	[hbm:s23], [sflag:s22] =	dma.local [spmem:s14], $0x3C0  }
0x50: {  	_ =	swait.ge [sflag:s19], $0x3C0  }
0x51: {  	s14 =	rddreg [dreg:$0xd]  }
0x52: {  	[sflag:s19] =	ssyncset.done $0x0;
	s5 =	rddreg [dreg:$0xe]  }
0x53: {  	[sflag:s19] =	ssyncadd.s32 $0xFFFFFC40;
	s23 =	sadd.s32 @p1 s13, s14;
	s25 =	sshrl.u32 @p1 s5, $0x3  }
0x54: {  	[hbm:s23], [sflag:s2] =	dma.local @p1 [spmem:s25], $0x3C0  }
0x55: {  	_ =	swait.ge @p1 [sflag:s9], $0x3C0  }
0x56: {  	[sflag:s9] =	ssyncset.done @p1 $0x0  }
0x57: {  	s23 =	sadd.s32 @!p1 s6, s14;
	s25 =	sshrl.u32 @!p1 s5, $0x3;
	[sflag:s9] =	ssyncadd.s32 @p1 $0xFFFFFC40  }
0x58: {  	[hbm:s23], [sflag:s15] =	dma.local @!p1 [spmem:s25], $0x3C0  }
0x59: {  	_ =	swait.ge @!p1 [sflag:s16], $0x3C0  }
0x5a: {  	[sflag:s16] =	ssyncset.done @!p1 $0x0;
	s25 =	rddreg [dreg:$0x11]  }
0x5b: {  	[sflag:s16] =	ssyncadd.s32 @!p1 $0xFFFFFC40;
	s14 =	sadd.s32 s20, s25;
	s25 =	rddreg [dreg:$0x1a]  }
0x5c: {  	[hbm:s14], [sflag:s22] =	dma.local [spmem:s25], $0x3C0  }
0x5d: {  	_ =	swait.ge [sflag:s19], $0x3C0  }
0x5e: {  	s5 =	rddreg [dreg:$0x12]  }
0x5f: {  	[sflag:s19] =	ssyncset.done $0x0;
	s14 =	rddreg [dreg:$0x13]  }
0x60: {  	[sflag:s19] =	ssyncadd.s32 $0xFFFFFC40;
	s23 =	sadd.s32 @p1 s13, s5;
	s25 =	sshrl.u32 @p1 s14, $0x3  }
0x61: {  	[hbm:s23], [sflag:s2] =	dma.local @p1 [spmem:s25], $0x3C0  }
0x62: {  	_ =	swait.ge @p1 [sflag:s9], $0x3C0  }
0x63: {  	[sflag:s9] =	ssyncset.done @p1 $0x0  }
0x64: {  	s2 =	sadd.s32 @!p1 s6, s5;
	[sflag:s9] =	ssyncadd.s32 @p1 $0xFFFFFC40;
	s9 =	sshrl.u32 @!p1 s14, $0x3  }
0x65: {  	[hbm:s2], [sflag:s15] =	dma.local @!p1 [spmem:s9], $0x3C0  }
0x66: {  	_ =	swait.ge @!p1 [sflag:s16], $0x3C0  }
0x67: {  	[sflag:s16] =	ssyncset.done @!p1 $0x0;
	s14 =	rddreg [dreg:$0x14]  }
0x68: {  	s15 =	rddreg [dreg:$0x1b];
	[sflag:s16] =	ssyncadd.s32 @!p1 $0xFFFFFC40;
	s2 =	sadd.s32 s20, s14  }
0x69: {  	[hbm:s2], [sflag:s22] =	dma.local [spmem:s15], $0x3C0  }
0x6a: {  	_ =	swait.ge [sflag:s19], $0x3C0  }
0x6b: {  	[sflag:s19] =	ssyncset.done $0x0;
	s16 =	rddreg [dreg:$0x17]  }
0x6c: {  	s23 =	rddreg [dreg:$0x1c];
	[sflag:s19] =	ssyncadd.s32 $0xFFFFFC40;
	s2 =	sadd.s32 s20, s16  }
0x6d: {  	[hbm:s2], [sflag:s22] =	dma.local [spmem:s23], $0x3C0  }
0x6e: {  	s13 =	smov.u32 @p2 s6;
	s2 =	simm.s32 @!p0 $0x5;
	_ =	swait.ge [sflag:s19], $0x3C0  }
0x6f: {  	s15 =	sshll.u32 @!p0 s26, $0x6;
	s2 =	simm.s32 @p2 $0x6;
	[sflag:s19] =	ssyncset.done $0x0  }
0x70: {  	s15 =	sadd.s32 @!p0 s2, s15;
	s5 =	rddreg [dreg:$0x18];
	[sflag:s19] =	ssyncadd.s32 $0xFFFFFC40  }
0x71: {  	s9 =	sadd.s32 @!p0 s13, s5;
	s15 =	sadd.s32 @!p0 $0x1C00, s15;
	s5 =	rddreg [dreg:$0x1d]  }
0x72: {  	[hbm:s9], [sflag:s15] =	dma.local @!p0 [spmem:s5], $0x3C0  }
0x73: {  	_ =	swait.ge @!p0 [sflag:s2], $0x3C0  }
0x74: {  	s24 =	sadd.s32 $0x1, s24;
	s25 =	rddreg [dreg:$0x9]  }
0x75: {  	p3 =	sne.s32 s24, s25  }
.Ltmp1:
0x76: {  	_ = 	snop;
	(pc) =	sbr.rel @!p3 .LBB2_11-.Ltmp1, $3  }
0x77: {  	_ =	sdelay $0x1  }
0x78: {  	[sflag:s2] =	ssyncset.done @!p0 $0x0  }
0x79: {  	s16 =	stileid.u32;
	[sflag:s2] =	ssyncadd.s32 @!p0 $0xFFFFFC40  }
.LBB2_1:
0x7a: {  	s9 =	simm.s32 $0x0  }
0x7b: {  	[tilespmem:s9+$0xB90] =	vst v0  }
0x7c: {  	[tilespmem:s9+$0xB40] =	vst v0  }
0x7d: {  	[tilespmem:s9+$0xB50] =	vst v0  }
0x7e: {  	[tilespmem:s9+$0xB60] =	vst v0  }
0x7f: {  	s15 =	simm.s32 $0x180;
	[tilespmem:s9+$0xB70] =	vst v0  }
.LBB2_2:
0x80: {  	p3 =	sne.s32 s15, $0x7680;
	[tilespmem:s9+$0xB80] =	vst v0;
	s9 =	sshra.s32 s15, $0x2;
	s15 =	sadd.s32 $0x180, s15  }
.Ltmp2:
0x81: {  	[tilespmem:s9+$0xB90] =	vst v0;
	(pc) =	sbr.rel @p3 .LBB2_2-.Ltmp2, $4  }
0x82: {  	[tilespmem:s9+$0xB40] =	vst v0  }
0x83: {  	[tilespmem:s9+$0xB50] =	vst v0  }
0x84: {  	[tilespmem:s9+$0xB60] =	vst v0  }
0x85: {  	[tilespmem:s9+$0xB70] =	vst v0  }
0x86: {  	[tilespmem:s9+$0xB80] =	vst v0;
	s2 =	rddreg [dreg:$0xa];
	s5 =	simm.s32 $0x5  }
0x87: {  	[spmem:s2] =	stream.linear.scatter [tilespmem:s21], [sflag:$0x5], $0x1E00, $0x38;
	[tilespmem:$0x131A0] =	vst v63  }
0x88: {  	_ =	swait.ge [sflag:s5], $0x1E00  }
0x89: {  	[sflag:s5] =	ssyncset.done $0x0  }
0x8a: {  	s25 =	rddreg [dreg:$0x1e];
	[sflag:s5] =	ssyncadd.s32 $0xFFFFE200  }
0x8b: {  	[spmem:s25] =	stream.linear.scatter [tilespmem:s21], [sflag:$0x5], $0x1E00, $0x38;
	[tilespmem:$0x131A0] =	vst v63  }
0x8c: {  	_ =	swait.ge [sflag:s5], $0x1E00  }
0x8d: {  	[sflag:s5] =	ssyncset.done $0x0  }
0x8e: {  	s6 =	rddreg [dreg:$0x1f];
	[sflag:s5] =	ssyncadd.s32 $0xFFFFE200  }
0x8f: {  	[spmem:s6] =	stream.linear.scatter [tilespmem:s21], [sflag:$0x5], $0x1E00, $0x38;
	[tilespmem:$0x131A0] =	vst v63  }
0x90: {  	_ =	swait.ge [sflag:s5], $0x1E00  }
0x91: {  	s9 =	sld [smem:$0x7F9]  }
0x92: {  	[sflag:s5] =	ssyncset.done $0x0  }
0x93: {  	[sflag:s5] =	ssyncadd.s32 $0xFFFFE200  }
0x94: {  	[spmem:s9] =	stream.linear.scatter [tilespmem:s21], [sflag:$0x5], $0x1E00, $0x38;
	[tilespmem:$0x131A0] =	vst v63  }
0x95: {  	_ =	swait.ge [sflag:s5], $0x1E00  }
0x96: {  	s13 =	sld [smem:$0x7FA]  }
0x97: {  	[sflag:s5] =	ssyncset.done $0x0  }
0x98: {  	[sflag:s5] =	ssyncadd.s32 $0xFFFFE200  }
0x99: {  	[spmem:s13] =	stream.linear.scatter [tilespmem:s21], [sflag:$0x5], $0x1E00, $0x38;
	[tilespmem:$0x131A0] =	vst v63  }
0x9a: {  	_ =	swait.ge [sflag:s5], $0x1E00  }
0x9b: {  	s14 =	sld [smem:$0x7FB]  }
0x9c: {  	[sflag:s5] =	ssyncset.done $0x0  }
0x9d: {  	[sflag:s5] =	ssyncadd.s32 $0xFFFFE200  }
0x9e: {  	[spmem:s14] =	stream.linear.scatter [tilespmem:s21], [sflag:$0x5], $0x1E00, $0x38;
	[tilespmem:$0x131A0] =	vst v63  }
0x9f: {  	_ =	swait.ge [sflag:s5], $0x1E00  }
0xa0: {  	s15 =	sld [smem:$0x7FC]  }
0xa1: {  	[sflag:s5] =	ssyncset.done $0x0  }
0xa2: {  	[sflag:s5] =	ssyncadd.s32 $0xFFFFE200  }
0xa3: {  	[spmem:s15] =	stream.linear.scatter [tilespmem:s21], [sflag:$0x5], $0x1E00, $0x38;
	[tilespmem:$0x131A0] =	vst v63  }
0xa4: {  	_ =	swait.ge [sflag:s5], $0x1E00  }
0xa5: {  	[sflag:s5] =	ssyncset.done $0x0  }
0xa6: {  	s9 =	simm.s32 @!p0 $0xB40;
	s2 =	rddreg [dreg:$0xb];
	[sflag:s5] =	ssyncadd.s32 $0xFFFFE200  }
0xa7: {  	[spmem:s2] =	stream.linear.scatter @!p0 [tilespmem:s9], [sflag:$0x5], $0x1E00, $0x38;
	[tilespmem:$0x131A0] =	vst v63  }
0xa8: {  	s9 =	simm.s32 @!p0 $0x5  }
0xa9: {  	_ =	swait.ge @!p0 [sflag:s9], $0x1E00  }
0xaa: {  	[sflag:s9] =	ssyncset.done @!p0 $0x0  }
0xab: {  	[sflag:s9] =	ssyncadd.s32 @!p0 $0xFFFFE200  }
0xac: {  	[bflag:$0x0] =	sbarrier.arrive $0xFFFF  }
0xad: {  	s16 =	rddreg [dreg:$0x3]  }
0xae: {  	[tilespmem:s1], [sflag:$0x1] =	stream.linear.gather [hbm4b:s16+s1], $0x50, $0x38;
	[tilespmem:$0x131A0] =	vst v63  }
0xaf: {  	s19 =	rddreg [dreg:$0x4]  }
0xb0: {  	[tilespmem:s28], [sflag:$0x1] =	stream.linear.gather [hbm4b:s19+s1], $0x50, $0x38;
	[tilespmem:$0x131A0] =	vst v63  }
0xb1: {  	s20 =	rddreg [dreg:$0x5]  }
0xb2: {  	[tilespmem:s29], [sflag:$0x1] =	stream.linear.gather [hbm4b:s20+s1], $0x500, $0x38;
	[tilespmem:$0x131A0] =	vst v63  }
0xb3: {  	s22 =	rddreg [dreg:$0x6]  }
0xb4: {  	[tilespmem:s30], [sflag:$0x2] =	stream.linear.gather [hbm4b:s22+s1], $0x50, $0x38;
	[tilespmem:$0x131A0] =	vst v63  }
0xb5: {  	s23 =	rddreg [dreg:$0x7]  }
0xb6: {  	[tilespmem:s31], [sflag:$0x2] =	stream.linear.gather [hbm4b:s23+s1], $0x50, $0x38;
	[tilespmem:$0x131A0] =	vst v63  }
0xb7: {  	s25 =	rddreg [dreg:$0x8]  }
0xb8: {  	[tilespmem:s0], [sflag:$0x2] =	stream.linear.gather [hbm4b:s25+s1], $0x500, $0x38;
	[tilespmem:$0x131A0] =	vst v63  }
0xb9: {  	_ =	swait.ge [sflag:s7], $0x50  }
0xba: {  	[sflag:s7] =	ssyncset.done $0x0  }
0xbb: {  	[sflag:s7] =	ssyncadd.s32 $0xFFFFFFB0  }
0xbc: {  	_ =	swait.ge [sflag:s7], $0x50  }
.Ltmp3:
0xbd: {  	[sflag:s7] =	ssyncset.done $0x0;
	(pc) =	sbr.rel @p1 .LBB2_7-.Ltmp3, $4  }
0xbe: {  	[sflag:s7] =	ssyncadd.s32 $0xFFFFFFB0  }
0xbf: {  	_ =	swait.ge [sflag:s7], $0x500  }
0xc0: {  	[sflag:s7] =	ssyncset.done $0x0  }
0xc1: {  	[sflag:s7] =	ssyncadd.s32 $0xFFFFFB00  }
0xc2: {  	s9 =	simm.s32 $0x0  }
0xc3: {  	[tilespmem:s21], [sflag:$0x3] =	stream.indirect.gather [hbm4b:s3+s30], $0x60, s9, s30, $0xb8;
	[tilespmem:$0x131A0] =	vst v63  }
0xc4: {  	_ =	swait.ge [sflag:s8], $0x50  }
0xc5: {  	[sflag:s8] =	ssyncset.done $0x0  }
0xc6: {  	[sflag:s8] =	ssyncadd.s32 $0xFFFFFFB0  }
0xc7: {  	_ =	swait.ge [sflag:s8], $0x50  }
0xc8: {  	[sflag:s8] =	ssyncset.done $0x0  }
0xc9: {  	[sflag:s8] =	ssyncadd.s32 $0xFFFFFFB0  }
0xca: {  	_ =	swait.ge [sflag:s8], $0x500  }
0xcb: {  	[sflag:s8] =	ssyncset.done $0x0  }
0xcc: {  	[sflag:s8] =	ssyncadd.s32 $0xFFFFFB00  }
0xcd: {  	[tilespmem:s10], [sflag:$0x4] =	stream.indirect.gather [hbm4b:s3+s30], $0x60, s30, s30, $0xb8;
	[tilespmem:$0x131A0] =	vst v63  }
0xce: {  	_ =	swait.ge [sflag:s11], $0x1E00  }
0xcf: {  	s20 =	sadd.s32 $0x0, s18;
	s16 =	sadd.s32 $0x0, s17;
	[sflag:s11] =	ssyncset.done $0x0  }
0xd0: {  	s15 =	sadd.s32 $0x14, s20;
	s2 =	sld [smem:$0x7FD];
	[sflag:s11] =	ssyncadd.s32 $0xFFFFE200  }
0xd1: {  	[tilespmem:s1], [sflag:$0x1] =	stream.linear.gather [hbm4b:s15+s1], $0x50, $0x38;
	[tilespmem:$0x131A0] =	vst v63  }
0xd2: {  	s22 =	sadd.s32 $0x14, s16  }
0xd3: {  	[tilespmem:s28], [sflag:$0x1] =	stream.linear.gather [hbm4b:s22+s1], $0x50, $0x38;
	[tilespmem:$0x131A0] =	vst v63  }
0xd4: {  	s23 =	sadd.s32 $0xFFFFFF60, s2  }
0xd5: {  	[tilespmem:s29], [sflag:$0x1] =	stream.linear.gather [hbm4b:s23+s1], $0x500, $0x38;
	[tilespmem:$0x131A0] =	vst v63  }
0xd6: {  	_ =	swait.ge [sflag:s7], $0x50  }
0xd7: {  	[sflag:s7] =	ssyncset.done $0x0  }
0xd8: {  	[sflag:s7] =	ssyncadd.s32 $0xFFFFFFB0  }
0xd9: {  	_ =	swait.ge [sflag:s7], $0x50  }
0xda: {  	[sflag:s7] =	ssyncset.done $0x0  }
0xdb: {  	[sflag:s7] =	ssyncadd.s32 $0xFFFFFFB0  }
0xdc: {  	_ =	swait.ge [sflag:s7], $0x500  }
0xdd: {  	[sflag:s7] =	ssyncset.done $0x0  }
0xde: {  	[sflag:s7] =	ssyncadd.s32 $0xFFFFFB00  }
0xdf: {  	[tilespmem:s21], [sflag:$0x3] =	stream.indirect.gather [hbm4b:s3+s30], $0x60, s1, s30, $0xb8;
	[tilespmem:$0x131A0] =	vst v63  }
0xe0: {  	_ =	swait.ge [sflag:s12], $0x1E00  }
0xe1: {  	[sflag:s12] =	ssyncset.done $0x0  }
0xe2: {  	s9 =	sadd.s32 $0x1E, s20;
	s25 =	sadd.s32 $0x1E, s16;
	[sflag:s12] =	ssyncadd.s32 $0xFFFFE200  }
0xe3: {  	[tilespmem:s30], [sflag:$0x2] =	stream.linear.gather [hbm4b:s9+s1], $0x50, $0x38;
	[tilespmem:$0x131A0] =	vst v63  }
0xe4: {  	s15 =	sadd.s32 $0x140, s2;
	s16 =	smov.u32 s2;
	s9 =	simm.s32 $0x14  }
0xe5: {  	[tilespmem:s31], [sflag:$0x2] =	stream.linear.gather [hbm4b:s25+s1], $0x50, $0x38;
	[tilespmem:$0x131A0] =	vst v63  }
.LBB2_5:
0xe6: {  	[tilespmem:s0], [sflag:$0x2] =	stream.linear.gather [hbm4b:s16+s1], $0x500, $0x38;
	[tilespmem:$0x131A0] =	vst v63  }
0xe7: {  	s2 =	smov.u32 s9;
	s16 =	smov.u32 s15  }
0xe8: {  	p3 =	seq.s32 s9, $0x99C;
	s9 =	sadd.s32 $0x14, s9;
	_ =	swait.ge [sflag:s8], $0x50  }
0xe9: {  	[sflag:s8] =	ssyncset.done $0x0  }
0xea: {  	[sflag:s8] =	ssyncadd.s32 $0xFFFFFFB0  }
0xeb: {  	_ =	swait.ge [sflag:s8], $0x50  }
0xec: {  	[sflag:s8] =	ssyncset.done $0x0  }
0xed: {  	[sflag:s8] =	ssyncadd.s32 $0xFFFFFFB0  }
0xee: {  	_ =	swait.ge [sflag:s8], $0x500  }
0xef: {  	[sflag:s8] =	ssyncset.done $0x0  }
0xf0: {  	[sflag:s8] =	ssyncadd.s32 $0xFFFFFB00  }
0xf1: {  	[tilespmem:s10], [sflag:$0x4] =	stream.indirect.gather [hbm4b:s3+s30], $0x60, s30, s30, $0xb8;
	[tilespmem:$0x131A0] =	vst v63  }
0xf2: {  	_ =	swait.ge [sflag:s11], $0x1E00  }
0xf3: {  	s19 =	sadd.s32 s2, s18;
	[sflag:s11] =	ssyncset.done $0x0  }
0xf4: {  	s2 =	sadd.s32 s2, s17;
	s20 =	sadd.s32 $0x14, s19;
	[sflag:s11] =	ssyncadd.s32 $0xFFFFE200  }
0xf5: {  	[tilespmem:s1], [sflag:$0x1] =	stream.linear.gather [hbm4b:s20+s1], $0x50, $0x38;
	[tilespmem:$0x131A0] =	vst v63  }
0xf6: {  	s20 =	sadd.s32 $0x14, s2  }
0xf7: {  	[tilespmem:s28], [sflag:$0x1] =	stream.linear.gather [hbm4b:s20+s1], $0x50, $0x38;
	[tilespmem:$0x131A0] =	vst v63  }
0xf8: {  	s20 =	sadd.s32 $0xFFFFFF60, s15  }
0xf9: {  	[tilespmem:s29], [sflag:$0x1] =	stream.linear.gather [hbm4b:s20+s1], $0x500, $0x38;
	[tilespmem:$0x131A0] =	vst v63  }
0xfa: {  	_ =	swait.ge [sflag:s7], $0x50  }
0xfb: {  	[sflag:s7] =	ssyncset.done $0x0  }
0xfc: {  	[sflag:s7] =	ssyncadd.s32 $0xFFFFFFB0  }
0xfd: {  	_ =	swait.ge [sflag:s7], $0x50  }
0xfe: {  	[sflag:s7] =	ssyncset.done $0x0  }
0xff: {  	[sflag:s7] =	ssyncadd.s32 $0xFFFFFFB0  }
0x100: {  	_ =	swait.ge [sflag:s7], $0x500  }
0x101: {  	[sflag:s7] =	ssyncset.done $0x0  }
0x102: {  	[sflag:s7] =	ssyncadd.s32 $0xFFFFFB00  }
0x103: {  	[tilespmem:s21], [sflag:$0x3] =	stream.indirect.gather [hbm4b:s3+s30], $0x60, s1, s30, $0xb8;
	[tilespmem:$0x131A0] =	vst v63  }
0x104: {  	_ =	swait.ge [sflag:s12], $0x1E00  }
0x105: {  	[sflag:s12] =	ssyncset.done $0x0  }
.Ltmp4:
0x106: {  	s19 =	sadd.s32 $0x1E, s19;
	[sflag:s12] =	ssyncadd.s32 $0xFFFFE200;
	(pc) =	sbr.rel @!p3 .LBB2_5-.Ltmp4, $4  }
0x107: {  	[tilespmem:s30], [sflag:$0x2] =	stream.linear.gather [hbm4b:s19+s1], $0x50, $0x38;
	[tilespmem:$0x131A0] =	vst v63  }
0x108: {  	s2 =	sadd.s32 $0x1E, s2  }
0x109: {  	[tilespmem:s31], [sflag:$0x2] =	stream.linear.gather [hbm4b:s2+s1], $0x50, $0x38;
	[tilespmem:$0x131A0] =	vst v63  }
0x10a: {  	s15 =	sadd.s32 $0x140, s15  }
.Ltmp5:
0x10b: {  	(pc) =	sbr.rel .LBB2_10-.Ltmp5, $3  }
0x10c: {  	_ =	sdelay $0x1  }
0x10d: {  	[tilespmem:s0], [sflag:$0x2] =	stream.linear.gather [hbm4b:s16+s1], $0x500, $0x38;
	[tilespmem:$0x131A0] =	vst v63  }
0x10e: {  	s9 =	smov.u32 s3  }
.LBB2_7:
0x10f: {  	s2 =	simm.s32 $0x0  }
0x110: {  	[tilespmem:s21], [sflag:$0x3] =	stream.indirect.gather [hbm4b:s4+s30], $0x60, s2, s30, $0xb8;
	[tilespmem:$0x131A0] =	vst v63  }
0x111: {  	_ =	swait.ge [sflag:s8], $0x50  }
0x112: {  	[sflag:s8] =	ssyncset.done $0x0  }
0x113: {  	[sflag:s8] =	ssyncadd.s32 $0xFFFFFFB0  }
0x114: {  	_ =	swait.ge [sflag:s8], $0x50  }
0x115: {  	[sflag:s8] =	ssyncset.done $0x0  }
0x116: {  	[sflag:s8] =	ssyncadd.s32 $0xFFFFFFB0  }
0x117: {  	_ =	swait.ge [sflag:s8], $0x500  }
0x118: {  	[sflag:s8] =	ssyncset.done $0x0  }
0x119: {  	[sflag:s8] =	ssyncadd.s32 $0xFFFFFB00  }
0x11a: {  	[tilespmem:s10], [sflag:$0x4] =	stream.indirect.gather [hbm4b:s4+s30], $0x60, s30, s30, $0xb8;
	[tilespmem:$0x131A0] =	vst v63  }
0x11b: {  	_ =	swait.ge [sflag:s11], $0x1E00  }
0x11c: {  	s20 =	sadd.s32 $0x0, s18;
	s15 =	sadd.s32 $0x0, s17;
	[sflag:s11] =	ssyncset.done $0x0  }
0x11d: {  	s9 =	sadd.s32 $0x14, s20;
	s16 =	sld [smem:$0x7FD];
	[sflag:s11] =	ssyncadd.s32 $0xFFFFE200  }
0x11e: {  	[tilespmem:s1], [sflag:$0x1] =	stream.linear.gather [hbm4b:s9+s1], $0x50, $0x38;
	[tilespmem:$0x131A0] =	vst v63  }
0x11f: {  	s22 =	sadd.s32 $0x14, s15  }
0x120: {  	[tilespmem:s28], [sflag:$0x1] =	stream.linear.gather [hbm4b:s22+s1], $0x50, $0x38;
	[tilespmem:$0x131A0] =	vst v63  }
0x121: {  	s23 =	sadd.s32 $0xFFFFFF60, s16  }
0x122: {  	[tilespmem:s29], [sflag:$0x1] =	stream.linear.gather [hbm4b:s23+s1], $0x500, $0x38;
	[tilespmem:$0x131A0] =	vst v63  }
0x123: {  	_ =	swait.ge [sflag:s7], $0x50  }
0x124: {  	[sflag:s7] =	ssyncset.done $0x0  }
0x125: {  	[sflag:s7] =	ssyncadd.s32 $0xFFFFFFB0  }
0x126: {  	_ =	swait.ge [sflag:s7], $0x50  }
0x127: {  	[sflag:s7] =	ssyncset.done $0x0  }
0x128: {  	[sflag:s7] =	ssyncadd.s32 $0xFFFFFFB0  }
0x129: {  	_ =	swait.ge [sflag:s7], $0x500  }
0x12a: {  	[sflag:s7] =	ssyncset.done $0x0  }
0x12b: {  	[sflag:s7] =	ssyncadd.s32 $0xFFFFFB00  }
0x12c: {  	[tilespmem:s21], [sflag:$0x3] =	stream.indirect.gather [hbm4b:s4+s30], $0x60, s1, s30, $0xb8;
	[tilespmem:$0x131A0] =	vst v63  }
0x12d: {  	_ =	swait.ge [sflag:s12], $0x1E00  }
0x12e: {  	[sflag:s12] =	ssyncset.done $0x0  }
0x12f: {  	s2 =	sadd.s32 $0x1E, s20;
	[sflag:s12] =	ssyncadd.s32 $0xFFFFE200  }
0x130: {  	[tilespmem:s30], [sflag:$0x2] =	stream.linear.gather [hbm4b:s2+s1], $0x50, $0x38;
	[tilespmem:$0x131A0] =	vst v63  }
0x131: {  	s25 =	sadd.s32 $0x1E, s15;
	s9 =	simm.s32 $0x14;
	s15 =	sadd.s32 $0x140, s16  }
0x132: {  	[tilespmem:s31], [sflag:$0x2] =	stream.linear.gather [hbm4b:s25+s1], $0x50, $0x38;
	[tilespmem:$0x131A0] =	vst v63  }
.LBB2_8:
0x133: {  	[tilespmem:s0], [sflag:$0x2] =	stream.linear.gather [hbm4b:s16+s1], $0x500, $0x38;
	[tilespmem:$0x131A0] =	vst v63  }
0x134: {  	s2 =	smov.u32 s9;
	s16 =	smov.u32 s15  }
0x135: {  	p3 =	sne.s32 s9, $0x99C;
	s9 =	sadd.s32 $0x14, s9;
	_ =	swait.ge [sflag:s8], $0x50  }
0x136: {  	[sflag:s8] =	ssyncset.done $0x0  }
0x137: {  	[sflag:s8] =	ssyncadd.s32 $0xFFFFFFB0  }
0x138: {  	_ =	swait.ge [sflag:s8], $0x50  }
0x139: {  	[sflag:s8] =	ssyncset.done $0x0  }
0x13a: {  	[sflag:s8] =	ssyncadd.s32 $0xFFFFFFB0  }
0x13b: {  	_ =	swait.ge [sflag:s8], $0x500  }
0x13c: {  	[sflag:s8] =	ssyncset.done $0x0  }
0x13d: {  	[sflag:s8] =	ssyncadd.s32 $0xFFFFFB00  }
0x13e: {  	[tilespmem:s10], [sflag:$0x4] =	stream.indirect.gather [hbm4b:s4+s30], $0x60, s30, s30, $0xb8;
	[tilespmem:$0x131A0] =	vst v63  }
0x13f: {  	_ =	swait.ge [sflag:s11], $0x1E00  }
0x140: {  	s19 =	sadd.s32 s2, s18;
	[sflag:s11] =	ssyncset.done $0x0  }
0x141: {  	s2 =	sadd.s32 s2, s17;
	s20 =	sadd.s32 $0x14, s19;
	[sflag:s11] =	ssyncadd.s32 $0xFFFFE200  }
0x142: {  	[tilespmem:s1], [sflag:$0x1] =	stream.linear.gather [hbm4b:s20+s1], $0x50, $0x38;
	[tilespmem:$0x131A0] =	vst v63  }
0x143: {  	s20 =	sadd.s32 $0x14, s2  }
0x144: {  	[tilespmem:s28], [sflag:$0x1] =	stream.linear.gather [hbm4b:s20+s1], $0x50, $0x38;
	[tilespmem:$0x131A0] =	vst v63  }
0x145: {  	s20 =	sadd.s32 $0xFFFFFF60, s15  }
0x146: {  	[tilespmem:s29], [sflag:$0x1] =	stream.linear.gather [hbm4b:s20+s1], $0x500, $0x38;
	[tilespmem:$0x131A0] =	vst v63  }
0x147: {  	_ =	swait.ge [sflag:s7], $0x50  }
0x148: {  	[sflag:s7] =	ssyncset.done $0x0  }
0x149: {  	[sflag:s7] =	ssyncadd.s32 $0xFFFFFFB0  }
0x14a: {  	_ =	swait.ge [sflag:s7], $0x50  }
0x14b: {  	[sflag:s7] =	ssyncset.done $0x0  }
0x14c: {  	[sflag:s7] =	ssyncadd.s32 $0xFFFFFFB0  }
0x14d: {  	_ =	swait.ge [sflag:s7], $0x500  }
0x14e: {  	[sflag:s7] =	ssyncset.done $0x0  }
0x14f: {  	[sflag:s7] =	ssyncadd.s32 $0xFFFFFB00  }
0x150: {  	[tilespmem:s21], [sflag:$0x3] =	stream.indirect.gather [hbm4b:s4+s30], $0x60, s1, s30, $0xb8;
	[tilespmem:$0x131A0] =	vst v63  }
0x151: {  	_ =	swait.ge [sflag:s12], $0x1E00  }
0x152: {  	[sflag:s12] =	ssyncset.done $0x0  }
.Ltmp6:
0x153: {  	s19 =	sadd.s32 $0x1E, s19;
	[sflag:s12] =	ssyncadd.s32 $0xFFFFE200;
	(pc) =	sbr.rel @p3 .LBB2_8-.Ltmp6, $4  }
0x154: {  	[tilespmem:s30], [sflag:$0x2] =	stream.linear.gather [hbm4b:s19+s1], $0x50, $0x38;
	[tilespmem:$0x131A0] =	vst v63  }
0x155: {  	s2 =	sadd.s32 $0x1E, s2  }
0x156: {  	[tilespmem:s31], [sflag:$0x2] =	stream.linear.gather [hbm4b:s2+s1], $0x50, $0x38;
	[tilespmem:$0x131A0] =	vst v63  }
0x157: {  	s15 =	sadd.s32 $0x140, s15  }
.Ltmp7:
0x158: {  	_ = 	snop;
	(pc) =	sbr.rel .LBB2_9-.Ltmp7, $1  }
0x159: {  	_ =	sdelay $0x3  }
.LBB2_11:
0x15a: {  	_ =	sfence.sel $0x180000  }
0x15b: {  	[bflag:$0x0] =	sbarrier.arrive $0xFFFF  }
0x15c: {  	_ =	strace $0x90000047  }
0x15d: {  	[bflag:$0x2] =	sbarrier.arrive $0xFFFF  }
0x15e: {  	p0 =	sne.s32 s16, $0x0;
	s0 =	rddreg [dreg:$0x2]  }
0x15f: {  	s0 =	sadd.s32 @!p0 $0x100000, s0  }
0x160: {  	[sflag:s0] =	ssyncadd.tile.s32 @!p0 $0x1;
	_ =	shalt  }
.Lfunc_end2:
_tile_overlayer_lowered:
.L_overlay_start_2:
0x161: {  	(tag) =	ssettag $0x2  }
0x162: {  	s0 =	rddreg [dreg:$0x0];
	s2 =	stileid.u32  }
0x163: {  	s1 =	rddreg [dreg:$0x1];
	p0 =	sne.s32 s2, $0x0  }
0x164: {  	s3 =	rddreg [dreg:$0x2];
	[bflag:$0x3] =	sbarrier.arrive $0xFFFF;
	s2 =	simm.s32 @!p0 $0x1C05  }
0x165: {  	[timem:s3], [sflag:s2] =	dma.local @!p0 [hbm:s0], s1  }
0x166: {  	s0 =	simm.s32 @!p0 $0x5  }
0x167: {  	_ =	swait.ge @!p0 [sflag:s0], s1  }
0x168: {  	s1 =	ssub.s32 @!p0 $0x0, s1;
	[sflag:s0] =	ssyncset.done @!p0 $0x0  }
0x169: {  	[sflag:s0] =	ssyncadd.s32 @!p0 s1  }
0x16a: {  	[bflag:$0x3] =	sbarrier.arrive $0xFFFF  }
0x16b: {  	_ =	shalt  }

</sc_bundles>
